<compile_context>
chip_gen: v7x
topology: tpu7x:2x2x1
jax: 0.10.2.dev20260603
libtpu: 0.0.44.dev20260713+nightly
codegen_flags: <defaults>
</compile_context>

<pallas_src>
import functools

import jax
import jax.numpy as jnp
from jax import lax
from jax.experimental import pallas as pl
from jax.experimental.pallas import tpu as pltpu
from jax.experimental.pallas import tpu_sc as plsc

N = 10000
E = 320000
DF = 128
DE = 16
DU = 32
H = 128

NC = 2
NS = 16
NW = NC * NS
CHUNK = 80
EPW = E // NW
NCHUNK = EPW // CHUNK
NPAD = 10240
RPT = NPAD // NS

BN = 1000
BE = 1280

_f32 = jnp.float32


def _prep_body(x_ref, wa_ref, wb_ref, wn_ref, u_ref, wu_ref, ba_ref, bn_ref,
               pa_ref, pb_ref, pn_ref):
    xb = x_ref[...]
    pa_ref[...] = jnp.dot(xb, wa_ref[...], preferred_element_type=_f32)
    ub = jnp.dot(u_ref[...], wu_ref[...], preferred_element_type=_f32)
    pb_ref[...] = jnp.dot(xb, wb_ref[...], preferred_element_type=_f32) + ba_ref[...] + ub
    pn_ref[...] = jnp.dot(xb, wn_ref[...], preferred_element_type=_f32) + bn_ref[...]


def _gather_body(pa_hbm, pb_hbm, row_hbm, col_hbm, g_hbm,
                 idxr, idxc, bufa, bufb, sem):
    c = lax.axis_index("c")
    s = lax.axis_index("s")
    wid = c * NS + s

    def chunk(i, carry):
        base = wid * EPW + i * CHUNK
        pltpu.sync_copy(row_hbm.at[pl.ds(base, CHUNK)], idxr)
        pltpu.sync_copy(col_hbm.at[pl.ds(base, CHUNK)], idxc)
        cpa = pltpu.async_copy(pa_hbm.at[idxr], bufa, sem)
        cpb = pltpu.async_copy(pb_hbm.at[idxc], bufb, sem)
        cpa.wait()
        cpb.wait()

        def row(r, carry2):
            for k in range(H // 16):
                sl = (r, pl.ds(k * 16, 16))
                bufa[sl] = bufa[sl] + bufb[sl]
            return carry2

        lax.fori_loop(0, CHUNK, row, 0)
        pltpu.sync_copy(bufa, g_hbm.at[pl.ds(base, CHUNK)])
        return carry

    lax.fori_loop(0, NCHUNK, chunk, 0)


def _edge_body(g_ref, attr_ref, wc_ref, ew2_ref, eb2_ref, n1wb_ref,
               eo_ref, t_ref):
    he = jnp.maximum(
        g_ref[...]
        + jnp.dot(attr_ref[...], wc_ref[...], preferred_element_type=_f32),
        0.0)
    eo = jnp.dot(he, ew2_ref[...], preferred_element_type=_f32) + eb2_ref[...]
    eo_ref[...] = eo
    t_ref[...] = jnp.dot(eo, n1wb_ref[...], preferred_element_type=_f32)


def _scatter_body(pn_hbm, t_hbm, row_hbm, col_hbm, zsum_hbm, zrow_hbm,
                  sum_hbm, cnt_hbm,
                  idxr, idxc, bufp, buft, bufc, acc, acc_cnt, sem):
    c = lax.axis_index("c")
    s = lax.axis_index("s")
    pltpu.sync_copy(zsum_hbm, acc.at[pl.ds(s * RPT, RPT)])
    pltpu.sync_copy(zrow_hbm, acc_cnt.at[pl.ds(s * RPT, RPT)])
    ones16 = jnp.full((16,), 1.0, _f32)

    def fill(j, carry):
        bufc[pl.ds(j * 16, 16)] = ones16
        return carry

    lax.fori_loop(0, CHUNK // 16, fill, 0)
    plsc.subcore_barrier()

    def chunk(i, carry):
        base = (c * NS + s) * EPW + i * CHUNK
        pltpu.sync_copy(row_hbm.at[pl.ds(base, CHUNK)], idxr)
        pltpu.sync_copy(col_hbm.at[pl.ds(base, CHUNK)], idxc)
        cpp = pltpu.async_copy(pn_hbm.at[idxr], bufp, sem)
        pltpu.sync_copy(t_hbm.at[pl.ds(base, CHUNK)], buft)
        cpp.wait()

        def row(r, carry2):
            for k in range(H // 16):
                sl = (r, pl.ds(k * 16, 16))
                bufp[sl] = jnp.maximum(bufp[sl] + buft[sl], 0.0)
            return carry2

        lax.fori_loop(0, CHUNK, row, 0)
        pltpu.sync_copy(bufp, acc.at[idxc], add=True)
        pltpu.sync_copy(bufc, acc_cnt.at[idxc], add=True)
        return carry

    lax.fori_loop(0, NCHUNK, chunk, 0)
    plsc.subcore_barrier()
    pltpu.sync_copy(acc.at[pl.ds(s * RPT, RPT)], sum_hbm.at[c, pl.ds(s * RPT, RPT)])
    pltpu.sync_copy(acc_cnt.at[pl.ds(s * RPT, RPT)], cnt_hbm.at[c, pl.ds(s * RPT, RPT)])


def _node_body(x_ref, sums_ref, cnts_ref, n1w2_ref, n1b2_ref, u_ref,
               w2a_ref, w2b_ref, w2c_ref, n2b1_ref, n2w2_ref, n2b2_ref,
               nout_ref, nsum_ref):
    S = sums_ref[0] + sums_ref[1]
    cnt = cnts_ref[0] + cnts_ref[1]
    cmax = jnp.maximum(cnt, 1.0)
    pos = (cnt > 0.0).astype(_f32)
    agg = jnp.dot(S, n1w2_ref[...], preferred_element_type=_f32) / cmax \
        + pos * n1b2_ref[...]
    ug = jnp.dot(u_ref[...], w2c_ref[...], preferred_element_type=_f32)
    h = jnp.maximum(
        jnp.dot(x_ref[...], w2a_ref[...], preferred_element_type=_f32)
        + jnp.dot(agg, w2b_ref[...], preferred_element_type=_f32)
        + ug + n2b1_ref[...],
        0.0)
    nout = jnp.dot(h, n2w2_ref[...], preferred_element_type=_f32) + n2b2_ref[...]
    nout_ref[...] = nout

    @pl.when(pl.program_id(0) == 0)
    def _():
        nsum_ref[...] = jnp.zeros_like(nsum_ref)

    nsum_ref[...] += jnp.sum(nout, axis=0, keepdims=True)


def _global_body(u_ref, nsum_ref, gu_ref, gm_ref, gb1_ref, gw2_ref, gb2_ref,
                 gout_ref):
    gmean = nsum_ref[...] * (1.0 / N)
    gh = jnp.maximum(
        jnp.dot(u_ref[...], gu_ref[...], preferred_element_type=_f32)
        + jnp.dot(gmean, gm_ref[...], preferred_element_type=_f32)
        + gb1_ref[...],
        0.0)
    gout_ref[...] = jnp.dot(gh, gw2_ref[...], preferred_element_type=_f32) + gb2_ref[...]


def _full(shape):
    return pl.BlockSpec(shape, lambda i: tuple(0 for _ in shape))


@functools.lru_cache(maxsize=None)
def _sc_calls():
    mesh = plsc.VectorSubcoreMesh(
        core_axis_name="c", subcore_axis_name="s",
        num_cores=NC, num_subcores=NS)
    gather = pl.kernel(
        _gather_body,
        out_type=[jax.ShapeDtypeStruct((E, DF), _f32)],
        mesh=mesh,
        scratch_types=[
            pltpu.VMEM((CHUNK,), jnp.int32),
            pltpu.VMEM((CHUNK,), jnp.int32),
            pltpu.VMEM((CHUNK, DF), _f32),
            pltpu.VMEM((CHUNK, DF), _f32),
            pltpu.SemaphoreType.DMA,
        ],
    )
    scatter = pl.kernel(
        _scatter_body,
        out_type=[jax.ShapeDtypeStruct((NC, NPAD, H), _f32),
                  jax.ShapeDtypeStruct((NC, NPAD), _f32)],
        mesh=mesh,
        scratch_types=[
            pltpu.VMEM((CHUNK,), jnp.int32),
            pltpu.VMEM((CHUNK,), jnp.int32),
            pltpu.VMEM((CHUNK, H), _f32),
            pltpu.VMEM((CHUNK, H), _f32),
            pltpu.VMEM((CHUNK,), _f32),
            pltpu.VMEM_SHARED((NPAD, H), _f32),
            pltpu.VMEM_SHARED((NPAD,), _f32),
            pltpu.SemaphoreType.DMA,
        ],
    )
    return gather, scatter


def kernel(x, edge_index, edge_attr, u,
           ew1, eb1, ew2, eb2,
           n1w1, n1b1, n1w2, n1b2,
           n2w1, n2b1, n2w2, n2b2,
           gw1, gb1, gw2, gb2):
    row = edge_index[0]
    col = edge_index[1]

    ew1_a = ew1[0:DF]
    ew1_b = ew1[DF:2 * DF]
    ew1_c = ew1[2 * DF:2 * DF + DE]
    ew1_u = ew1[2 * DF + DE:]
    n1w1_a = n1w1[0:DF]
    n1w1_b = n1w1[DF:DF + DE]
    n2w1_a = n2w1[0:DF]
    n2w1_b = n2w1[DF:2 * DF]
    n2w1_c = n2w1[2 * DF:]
    gw1_u = gw1[0:DU]
    gw1_m = gw1[DU:]

    eb1r = eb1.reshape(1, H)
    eb2r = eb2.reshape(1, DE)
    n1b1r = n1b1.reshape(1, DF)
    n1b2r = n1b2.reshape(1, DF)
    n2b1r = n2b1.reshape(1, H)
    n2b2r = n2b2.reshape(1, DF)
    gb1r = gb1.reshape(1, DU)
    gb2r = gb2.reshape(1, DU)

    pa, pb, pn = pl.pallas_call(
        _prep_body,
        grid=(N // BN,),
        in_specs=[
            pl.BlockSpec((BN, DF), lambda i: (i, 0)),
            _full((DF, H)), _full((DF, H)), _full((DF, H)),
            _full((1, DU)), _full((DU, H)), _full((1, H)), _full((1, H)),
        ],
        out_specs=[pl.BlockSpec((BN, H), lambda i: (i, 0))] * 3,
        out_shape=[jax.ShapeDtypeStruct((N, H), _f32)] * 3,
    )(x, ew1_a, ew1_b, n1w1_a, u, ew1_u, eb1r, n1b1r)

    _gather_call, _scatter_call = _sc_calls()
    (g,) = _gather_call(pa, pb, row, col)

    eo, t = pl.pallas_call(
        _edge_body,
        grid=(E // BE,),
        in_specs=[
            pl.BlockSpec((BE, H), lambda i: (i, 0)),
            pl.BlockSpec((BE, DE), lambda i: (i, 0)),
            _full((DE, H)), _full((H, DE)), _full((1, DE)), _full((DE, H)),
        ],
        out_specs=[pl.BlockSpec((BE, DE), lambda i: (i, 0)),
                   pl.BlockSpec((BE, H), lambda i: (i, 0))],
        out_shape=[jax.ShapeDtypeStruct((E, DE), _f32),
                   jax.ShapeDtypeStruct((E, H), _f32)],
    )(g, edge_attr, ew1_c, ew2, eb2r, n1w1_b)

    zsum = jnp.zeros((RPT, H), _f32)
    zrow = jnp.zeros((RPT,), _f32)
    sums, cnts = _scatter_call(pn, t, row, col, zsum, zrow)
    cnts3 = cnts[:, :N, None]

    nout, nsum = pl.pallas_call(
        _node_body,
        grid=(N // BN,),
        in_specs=[
            pl.BlockSpec((BN, DF), lambda i: (i, 0)),
            pl.BlockSpec((NC, BN, H), lambda i: (0, i, 0)),
            pl.BlockSpec((NC, BN, 1), lambda i: (0, i, 0)),
            _full((H, DF)), _full((1, DF)), _full((1, DU)),
            _full((DF, H)), _full((DF, H)), _full((DU, H)),
            _full((1, H)), _full((H, DF)), _full((1, DF)),
        ],
        out_specs=[pl.BlockSpec((BN, DF), lambda i: (i, 0)),
                   pl.BlockSpec((1, DF), lambda i: (0, 0))],
        out_shape=[jax.ShapeDtypeStruct((N, DF), _f32),
                   jax.ShapeDtypeStruct((1, DF), _f32)],
    )(x, sums, cnts3, n1w2, n1b2r, u, n2w1_a, n2w1_b, n2w1_c, n2b1r, n2w2, n2b2r)

    gout = pl.pallas_call(
        _global_body,
        grid=(1,),
        in_specs=[_full((1, DU)), _full((1, DF)), _full((DU, DU)),
                  _full((DF, DU)), _full((1, DU)), _full((DU, DU)), _full((1, DU))],
        out_specs=_full((1, DU)),
        out_shape=jax.ShapeDtypeStruct((1, DU), _f32),
    )(u, nsum, gw1_u, gw1_m, gb1r, gw2, gb2r)

    return nout, eo, gout

# --- scband reference (transcript-rebuilt; emitter-appended) ---
"""Pipeline reference for scband-meta-layer-6897717477414 (READ-ONLY COPY).

The authoritative reference and input builder live on the scoring server;
editing this copy changes nothing except your own understanding.
"""

import jax, jax.numpy as jnp
import numpy as np

N = 10000
E = 320000
DF = 128
DE = 16
DU = 32
H = 128

def _glorot(key, fan_in, fan_out):
    lim = float(np.sqrt(6.0 / (fan_in + fan_out)))
    return jax.random.uniform(key, (fan_in, fan_out), minval=-lim, maxval=lim, dtype=jnp.float32)

def setup_inputs(seed: int = 0):
    key = jax.random.key(seed)
    ks = jax.random.split(key, 16)
    inp = {}
    inp['x'] = jax.random.normal(ks[0], (N, DF), dtype=jnp.float32)
    inp['edge_index'] = jax.random.randint(ks[1], (2, E), 0, N, dtype=jnp.int32)
    inp['edge_attr'] = jax.random.normal(ks[2], (E, DE), dtype=jnp.float32)
    inp['u'] = jax.random.normal(ks[3], (1, DU), dtype=jnp.float32)
    # edge model MLP: in = 2*DF + DE + DU = 304, out = DE
    inp['ew1'] = _glorot(ks[4], 2 * DF + DE + DU, H)
    inp['eb1'] = jnp.zeros((H,), jnp.float32)
    inp['ew2'] = _glorot(ks[5], H, DE)
    inp['eb2'] = jnp.zeros((DE,), jnp.float32)
    # node mlp 1: in = DF + DE = 144
    inp['n1w1'] = _glorot(ks[6], DF + DE, H)
    inp['n1b1'] = jnp.zeros((H,), jnp.float32)
    inp['n1w2'] = _glorot(ks[7], H, DF)
    inp['n1b2'] = jnp.zeros((DF,), jnp.float32)
    # node mlp 2: in = 2*DF + DU = 288
    inp['n2w1'] = _glorot(ks[8], 2 * DF + DU, H)
    inp['n2b1'] = jnp.zeros((H,), jnp.float32)
    inp['n2w2'] = _glorot(ks[9], H, DF)
    inp['n2b2'] = jnp.zeros((DF,), jnp.float32)
    # global mlp: in = DU + DF = 160
    inp['gw1'] = _glorot(ks[10], DU + DF, DU)
    inp['gb1'] = jnp.zeros((DU,), jnp.float32)
    inp['gw2'] = _glorot(ks[11], DU, DU)
    inp['gb2'] = jnp.zeros((DU,), jnp.float32)
    return inp

def _forward(x, edge_attr, u, ew1, eb1, ew2, eb2, n1w1, n1b1, n1w2, n1b2, n2w1, n2b1, n2w2, n2b2, gw1, gb1, gw2, gb2, row, col):
    # edge model: edge_batch is all zeros -> u[edge_batch[row]] == broadcast u[0]
    ue = jnp.broadcast_to(u[0], (row.shape[0], u.shape[1]))
    e_in = jnp.concatenate([x[row], x[col], edge_attr, ue], axis=1)
    e_out = jax.nn.relu(e_in @ ew1 + eb1) @ ew2 + eb2
    # node model
    m = jnp.concatenate([x[row], e_out], axis=1)
    m = jax.nn.relu(m @ n1w1 + n1b1) @ n1w2 + n1b2
    s = jax.ops.segment_sum(m, col, num_segments=x.shape[0])
    cnt = jax.ops.segment_sum(jnp.ones((row.shape[0], 1), jnp.float32), col, num_segments=x.shape[0])
    agg = s / jnp.maximum(cnt, 1.0)  # scatter_mean semantics (empty segments -> 0)
    un = jnp.broadcast_to(u[0], (x.shape[0], u.shape[1]))  # node_batch all zeros
    n_in = jnp.concatenate([x, agg, un], axis=1)
    n_out = jax.nn.relu(n_in @ n2w1 + n2b1) @ n2w2 + n2b2
    # global model: batch all zeros -> scatter_mean over batch == mean over all nodes
    g_in = jnp.concatenate([u, jnp.mean(n_out, axis=0, keepdims=True)], axis=1)
    g_out = jax.nn.relu(g_in @ gw1 + gb1) @ gw2 + gb2
    return (n_out, e_out, g_out)

def reference(x, edge_index, edge_attr, u, ew1, eb1, ew2, eb2, n1w1, n1b1, n1w2, n1b2, n2w1, n2b1, n2w2, n2b2, gw1, gb1, gw2, gb2):
    row = edge_index[0]
    col = edge_index[1]
    return _forward(x, edge_attr, u, ew1, eb1, ew2, eb2, n1w1, n1b1, n1w2, n1b2, n2w1, n2b1, n2w2, n2b2, gw1, gb1, gw2, gb2, row, col)

if __name__ == "__main__":
    import jax
    _d = setup_inputs()
    print(jax.jit(kernel)(*tuple(_d.values())))

</pallas_src>

<mosaic_0001>
#map = affine_map<(d0, d1) -> (0, 0)>
#map1 = affine_map<(d0, d1) -> (0)>
#map2 = affine_map<(d0, d1) -> (0, 0, 0)>
module attributes {stable_mosaic.version = 14 : i64} {
  func.func @_scatter_body(%arg0: i32, %arg1: i32, %arg2: memref<10000x128xf32, #tpu.memory_space<hbm>>, %arg3: memref<320000x128xf32, #tpu.memory_space<hbm>>, %arg4: memref<320000xi32, #tpu.memory_space<hbm>>, %arg5: memref<320000xi32, #tpu.memory_space<hbm>>, %arg6: memref<640x128xf32, #tpu.memory_space<hbm>>, %arg7: memref<640xf32, #tpu.memory_space<hbm>>, %arg8: memref<2x10240x128xf32, #tpu.memory_space<hbm>>, %arg9: memref<2x10240xf32, #tpu.memory_space<hbm>>, %arg10: memref<80xi32, #tpu.memory_space<vmem>>, %arg11: memref<80xi32, #tpu.memory_space<vmem>>, %arg12: memref<80x128xf32, #tpu.memory_space<vmem>>, %arg13: memref<80x128xf32, #tpu.memory_space<vmem>>, %arg14: memref<80xf32, #tpu.memory_space<vmem>>, %arg15: memref<10240x128xf32, #tpu.memory_space<vmem_shared>>, %arg16: memref<10240xf32, #tpu.memory_space<vmem_shared>>, %arg17: memref<!tpu.dma_semaphore, #tpu.memory_space<semaphore_mem>>) attributes {dimension_semantics = [#tpu.dimension_semantics<core_parallel>, #tpu.dimension_semantics<subcore_parallel>], iteration_bounds = array<i64: 2, 16>, scalar_prefetch = 0 : i64, scratch_operands = 8 : i64, tpu.core_type = #tpu.core_type<sc_vector_subcore>, window_params = [{transform_indices = #map}, {transform_indices = #map}, {transform_indices = #map1}, {transform_indices = #map1}, {transform_indices = #map}, {transform_indices = #map1}, {transform_indices = #map2}, {transform_indices = #map}]} {
    %mul3A = arith.constant 640 : i32
    %mul3A_0 = arith.muli %arg1, %mul3A : i32
    "tpu.region"() ({
      %run_scoped3A = tpu.sem_alloc : memref<!tpu.dma_semaphore, #tpu.memory_space<semaphore_mem>>
      %dma_start3A = arith.constant 0 : i32
      %dma_start3A_24 = tpu.memref_slice %arg15[%mul3A_0, %dma_start3A] : memref<10240x128xf32, #tpu.memory_space<vmem_shared>> -> memref<640x128xf32, #tpu.memory_space<vmem_shared>>
      tpu.enqueue_dma source(%arg6 : memref<640x128xf32, #tpu.memory_space<hbm>>) target(%dma_start3A_24 : memref<640x128xf32, #tpu.memory_space<vmem_shared>>) target_semaphore(%run_scoped3A : memref<!tpu.dma_semaphore, #tpu.memory_space<semaphore_mem>>)
      %dma_wait3A = arith.constant 0 : i32
      %dma_wait3A_25 = tpu.memref_slice %arg15[%mul3A_0, %dma_wait3A] : memref<10240x128xf32, #tpu.memory_space<vmem_shared>> -> memref<640x128xf32, #tpu.memory_space<vmem_shared>>
      tpu.wait_dma2 semaphore(%run_scoped3A : memref<!tpu.dma_semaphore, #tpu.memory_space<semaphore_mem>>) src(%arg6 : memref<640x128xf32, #tpu.memory_space<hbm>>) dst(%dma_wait3A_25 : memref<640x128xf32, #tpu.memory_space<vmem_shared>>)
      tpu.yield
    }) : () -> ()
    %mul3A_1 = arith.constant 640 : i32
    %mul3A_2 = arith.muli %arg1, %mul3A_1 : i32
    "tpu.region"() ({
      %run_scoped3A = tpu.sem_alloc : memref<!tpu.dma_semaphore, #tpu.memory_space<semaphore_mem>>
      %dma_start3A = tpu.memref_slice %arg16[%mul3A_2] : memref<10240xf32, #tpu.memory_space<vmem_shared>> -> memref<640xf32, #tpu.memory_space<vmem_shared>>
      tpu.enqueue_dma source(%arg7 : memref<640xf32, #tpu.memory_space<hbm>>) target(%dma_start3A : memref<640xf32, #tpu.memory_space<vmem_shared>>) target_semaphore(%run_scoped3A : memref<!tpu.dma_semaphore, #tpu.memory_space<semaphore_mem>>)
      %dma_wait3A = tpu.memref_slice %arg16[%mul3A_2] : memref<10240xf32, #tpu.memory_space<vmem_shared>> -> memref<640xf32, #tpu.memory_space<vmem_shared>>
      tpu.wait_dma2 semaphore(%run_scoped3A : memref<!tpu.dma_semaphore, #tpu.memory_space<semaphore_mem>>) src(%arg7 : memref<640xf32, #tpu.memory_space<hbm>>) dst(%dma_wait3A : memref<640xf32, #tpu.memory_space<vmem_shared>>)
      tpu.yield
    }) : () -> ()
    %broadcast_in_dim3A = arith.constant 1.000000e+00 : f32
    %broadcast_in_dim3A_3 = vector.broadcast %broadcast_in_dim3A : f32 to vector<16xf32>
    %scan3A = arith.constant 0 : i32
    %scan3A_4 = arith.constant 0 : i32
    %scan3A_5 = arith.constant 5 : i32
    %scan3A_6 = arith.addi %scan3A_4, %scan3A_5 : i32
    %scan3A_7 = arith.constant 1 : i32
    scf.for %scan3A_24 = %scan3A_4 to %scan3A_6 step %scan3A_7  : i32 {
      %mul3A_25 = arith.constant 16 : i32
      %mul3A_26 = arith.muli %scan3A_24, %mul3A_25 : i32
      %swap3A = arith.index_cast %mul3A_26 : i32 to index
      %swap3A_27 = tpu.vector_load %arg14[%swap3A] {strides = array<i32>} : memref<80xf32, #tpu.memory_space<vmem>>, vector<16xf32>,
      %swap3A_28 = vector.shape_cast %swap3A_27 : vector<16xf32> to vector<16xf32>
      %swap3A_29 = vector.shape_cast %broadcast_in_dim3A_3 : vector<16xf32> to vector<16xf32>
      tpu.vector_store %arg14[%swap3A], %swap3A_29 {strides = array<i32>} : memref<80xf32, #tpu.memory_space<vmem>>, vector<16xf32>,
    }
    %scan3A_8 = arith.constant 5 : i32
    %barrier3A = arith.constant 0 : index
    tpu.barrier barrier_id(%barrier3A)
    %scan3A_9 = arith.constant 0 : i32
    %scan3A_10 = arith.constant 0 : i32
    %scan3A_11 = arith.constant 125 : i32
    %scan3A_12 = arith.addi %scan3A_10, %scan3A_11 : i32
    %scan3A_13 = arith.constant 1 : i32
    scf.for %scan3A_24 = %scan3A_10 to %scan3A_12 step %scan3A_13  : i32 {
      %mul3A_25 = arith.constant 16 : i32
      %mul3A_26 = arith.muli %arg0, %mul3A_25 : i32
      %add3A = arith.addi %mul3A_26, %arg1 : i32
      %mul3A_27 = arith.constant 10000 : i32
      %mul3A_28 = arith.muli %add3A, %mul3A_27 : i32
      %mul3A_29 = arith.constant 80 : i32
      %mul3A_30 = arith.muli %scan3A_24, %mul3A_29 : i32
      %add3A_31 = arith.addi %mul3A_28, %mul3A_30 : i32
      "tpu.region"() ({
        %run_scoped3A = tpu.sem_alloc : memref<!tpu.dma_semaphore, #tpu.memory_space<semaphore_mem>>
        %dma_start3A_42 = tpu.memref_slice %arg4[%add3A_31] : memref<320000xi32, #tpu.memory_space<hbm>> -> memref<80xi32, #tpu.memory_space<hbm>>
        %dma_start3A_43 = tpu.memref_slice %arg4[%add3A_31] : memref<320000xi32, #tpu.memory_space<hbm>> -> memref<80xi32, #tpu.memory_space<hbm>>
        tpu.enqueue_dma source(%dma_start3A_43 : memref<80xi32, #tpu.memory_space<hbm>>) target(%arg10 : memref<80xi32, #tpu.memory_space<vmem>>) target_semaphore(%run_scoped3A : memref<!tpu.dma_semaphore, #tpu.memory_space<semaphore_mem>>)
        %dma_wait3A_44 = tpu.memref_slice %arg4[%add3A_31] : memref<320000xi32, #tpu.memory_space<hbm>> -> memref<80xi32, #tpu.memory_space<hbm>>
        %dma_wait3A_45 = tpu.memref_slice %arg4[%add3A_31] : memref<320000xi32, #tpu.memory_space<hbm>> -> memref<80xi32, #tpu.memory_space<hbm>>
        tpu.wait_dma2 semaphore(%run_scoped3A : memref<!tpu.dma_semaphore, #tpu.memory_space<semaphore_mem>>) src(%dma_wait3A_45 : memref<80xi32, #tpu.memory_space<hbm>>) dst(%arg10 : memref<80xi32, #tpu.memory_space<vmem>>)
        tpu.yield
      }) : () -> ()
      "tpu.region"() ({
        %run_scoped3A = tpu.sem_alloc : memref<!tpu.dma_semaphore, #tpu.memory_space<semaphore_mem>>
        %dma_start3A_42 = tpu.memref_slice %arg5[%add3A_31] : memref<320000xi32, #tpu.memory_space<hbm>> -> memref<80xi32, #tpu.memory_space<hbm>>
        %dma_start3A_43 = tpu.memref_slice %arg5[%add3A_31] : memref<320000xi32, #tpu.memory_space<hbm>> -> memref<80xi32, #tpu.memory_space<hbm>>
        tpu.enqueue_dma source(%dma_start3A_43 : memref<80xi32, #tpu.memory_space<hbm>>) target(%arg11 : memref<80xi32, #tpu.memory_space<vmem>>) target_semaphore(%run_scoped3A : memref<!tpu.dma_semaphore, #tpu.memory_space<semaphore_mem>>)
        %dma_wait3A_44 = tpu.memref_slice %arg5[%add3A_31] : memref<320000xi32, #tpu.memory_space<hbm>> -> memref<80xi32, #tpu.memory_space<hbm>>
        %dma_wait3A_45 = tpu.memref_slice %arg5[%add3A_31] : memref<320000xi32, #tpu.memory_space<hbm>> -> memref<80xi32, #tpu.memory_space<hbm>>
        tpu.wait_dma2 semaphore(%run_scoped3A : memref<!tpu.dma_semaphore, #tpu.memory_space<semaphore_mem>>) src(%dma_wait3A_45 : memref<80xi32, #tpu.memory_space<hbm>>) dst(%arg11 : memref<80xi32, #tpu.memory_space<vmem>>)
        tpu.yield
      }) : () -> ()
      %dma_start3A = arith.constant 0 : i32
      %dma_start3A_32 = arith.constant 0 : i32
      %dma_start3A_33 = tpu.memref_slice %arg2[%dma_start3A, %dma_start3A_32] : memref<10000x128xf32, #tpu.memory_space<hbm>> -> memref<10000x128xf32, #tpu.memory_space<hbm>>
      tpu.enqueue_indirect_dma source(%dma_start3A_33 : memref<10000x128xf32, #tpu.memory_space<hbm>>) target(%arg12 : memref<80x128xf32, #tpu.memory_space<vmem>>) offsets(%arg10 : memref<80xi32, #tpu.memory_space<vmem>>) semaphore(%arg17 : memref<!tpu.dma_semaphore, #tpu.memory_space<semaphore_mem>>)
      "tpu.region"() ({
        %run_scoped3A = tpu.sem_alloc : memref<!tpu.dma_semaphore, #tpu.memory_space<semaphore_mem>>
        %dma_start3A_42 = arith.constant 0 : i32
        %dma_start3A_43 = tpu.memref_slice %arg3[%add3A_31, %dma_start3A_42] : memref<320000x128xf32, #tpu.memory_space<hbm>> -> memref<80x128xf32, #tpu.memory_space<hbm>>
        %dma_start3A_44 = arith.constant 0 : i32
        %dma_start3A_45 = tpu.memref_slice %arg3[%add3A_31, %dma_start3A_44] : memref<320000x128xf32, #tpu.memory_space<hbm>> -> memref<80x128xf32, #tpu.memory_space<hbm>>
        tpu.enqueue_dma source(%dma_start3A_45 : memref<80x128xf32, #tpu.memory_space<hbm>>) target(%arg13 : memref<80x128xf32, #tpu.memory_space<vmem>>) target_semaphore(%run_scoped3A : memref<!tpu.dma_semaphore, #tpu.memory_space<semaphore_mem>>)
        %dma_wait3A_46 = arith.constant 0 : i32
        %dma_wait3A_47 = tpu.memref_slice %arg3[%add3A_31, %dma_wait3A_46] : memref<320000x128xf32, #tpu.memory_space<hbm>> -> memref<80x128xf32, #tpu.memory_space<hbm>>
        %dma_wait3A_48 = arith.constant 0 : i32
        %dma_wait3A_49 = tpu.memref_slice %arg3[%add3A_31, %dma_wait3A_48] : memref<320000x128xf32, #tpu.memory_space<hbm>> -> memref<80x128xf32, #tpu.memory_space<hbm>>
        tpu.wait_dma2 semaphore(%run_scoped3A : memref<!tpu.dma_semaphore, #tpu.memory_space<semaphore_mem>>) src(%dma_wait3A_49 : memref<80x128xf32, #tpu.memory_space<hbm>>) dst(%arg13 : memref<80x128xf32, #tpu.memory_space<vmem>>)
        tpu.yield
      }) : () -> ()
      %dma_wait3A = arith.constant 0 : i32
      %dma_wait3A_34 = arith.constant 0 : i32
      %dma_wait3A_35 = tpu.memref_slice %arg2[%dma_wait3A, %dma_wait3A_34] : memref<10000x128xf32, #tpu.memory_space<hbm>> -> memref<10000x128xf32, #tpu.memory_space<hbm>>
      tpu.wait_indirect_dma semaphore(%arg17 : memref<!tpu.dma_semaphore, #tpu.memory_space<semaphore_mem>>) src(%dma_wait3A_35 : memref<10000x128xf32, #tpu.memory_space<hbm>>) dst(%arg12 : memref<80x128xf32, #tpu.memory_space<vmem>>)
      %scan3A_36 = arith.constant 0 : i32
      %scan3A_37 = arith.constant 0 : i32
      %scan3A_38 = arith.constant 80 : i32
      %scan3A_39 = arith.addi %scan3A_37, %scan3A_38 : i32
      %scan3A_40 = arith.constant 1 : i32
      scf.for %scan3A_42 = %scan3A_37 to %scan3A_39 step %scan3A_40  : i32 {
        %get3A = arith.index_cast %scan3A_42 : i32 to index
        %get3A_43 = arith.constant 0 : index
        %get3A_44 = tpu.vector_load %arg12[%get3A, %get3A_43] {strides = array<i32>} : memref<80x128xf32, #tpu.memory_space<vmem>>, vector<1x16xf32>,
        %get3A_45 = vector.shape_cast %get3A_44 : vector<1x16xf32> to vector<16xf32>
        %get3A_46 = arith.index_cast %scan3A_42 : i32 to index
        %get3A_47 = arith.constant 0 : index
        %get3A_48 = tpu.vector_load %arg13[%get3A_46, %get3A_47] {strides = array<i32>} : memref<80x128xf32, #tpu.memory_space<vmem>>, vector<1x16xf32>,
        %get3A_49 = vector.shape_cast %get3A_48 : vector<1x16xf32> to vector<16xf32>
        %add3A_50 = arith.addf %get3A_45, %get3A_49 : vector<16xf32>
        %max3A = arith.constant 0.000000e+00 : f32
        %max3A_51 = vector.broadcast %max3A : f32 to vector<16xf32>
        %max3A_52 = arith.maximumf %add3A_50, %max3A_51 : vector<16xf32>
        %swap3A = arith.index_cast %scan3A_42 : i32 to index
        %swap3A_53 = arith.constant 0 : index
        %swap3A_54 = tpu.vector_load %arg12[%swap3A, %swap3A_53] {strides = array<i32>} : memref<80x128xf32, #tpu.memory_space<vmem>>, vector<1x16xf32>,
        %swap3A_55 = vector.shape_cast %swap3A_54 : vector<1x16xf32> to vector<16xf32>
        %swap3A_56 = vector.shape_cast %max3A_52 : vector<16xf32> to vector<1x16xf32>
        tpu.vector_store %arg12[%swap3A, %swap3A_53], %swap3A_56 {strides = array<i32>} : memref<80x128xf32, #tpu.memory_space<vmem>>, vector<1x16xf32>,
        %get3A_57 = arith.index_cast %scan3A_42 : i32 to index
        %get3A_58 = arith.constant 16 : index
        %get3A_59 = tpu.vector_load %arg12[%get3A_57, %get3A_58] {strides = array<i32>} : memref<80x128xf32, #tpu.memory_space<vmem>>, vector<1x16xf32>,
        %get3A_60 = vector.shape_cast %get3A_59 : vector<1x16xf32> to vector<16xf32>
        %get3A_61 = arith.index_cast %scan3A_42 : i32 to index
        %get3A_62 = arith.constant 16 : index
        %get3A_63 = tpu.vector_load %arg13[%get3A_61, %get3A_62] {strides = array<i32>} : memref<80x128xf32, #tpu.memory_space<vmem>>, vector<1x16xf32>,
        %get3A_64 = vector.shape_cast %get3A_63 : vector<1x16xf32> to vector<16xf32>
        %add3A_65 = arith.addf %get3A_60, %get3A_64 : vector<16xf32>
        %max3A_66 = arith.constant 0.000000e+00 : f32
        %max3A_67 = vector.broadcast %max3A_66 : f32 to vector<16xf32>
        %max3A_68 = arith.maximumf %add3A_65, %max3A_67 : vector<16xf32>
        %swap3A_69 = arith.index_cast %scan3A_42 : i32 to index
        %swap3A_70 = arith.constant 16 : index
        %swap3A_71 = tpu.vector_load %arg12[%swap3A_69, %swap3A_70] {strides = array<i32>} : memref<80x128xf32, #tpu.memory_space<vmem>>, vector<1x16xf32>,
        %swap3A_72 = vector.shape_cast %swap3A_71 : vector<1x16xf32> to vector<16xf32>
        %swap3A_73 = vector.shape_cast %max3A_68 : vector<16xf32> to vector<1x16xf32>
        tpu.vector_store %arg12[%swap3A_69, %swap3A_70], %swap3A_73 {strides = array<i32>} : memref<80x128xf32, #tpu.memory_space<vmem>>, vector<1x16xf32>,
        %get3A_74 = arith.index_cast %scan3A_42 : i32 to index
        %get3A_75 = arith.constant 32 : index
        %get3A_76 = tpu.vector_load %arg12[%get3A_74, %get3A_75] {strides = array<i32>} : memref<80x128xf32, #tpu.memory_space<vmem>>, vector<1x16xf32>,
        %get3A_77 = vector.shape_cast %get3A_76 : vector<1x16xf32> to vector<16xf32>
        %get3A_78 = arith.index_cast %scan3A_42 : i32 to index
        %get3A_79 = arith.constant 32 : index
        %get3A_80 = tpu.vector_load %arg13[%get3A_78, %get3A_79] {strides = array<i32>} : memref<80x128xf32, #tpu.memory_space<vmem>>, vector<1x16xf32>,
        %get3A_81 = vector.shape_cast %get3A_80 : vector<1x16xf32> to vector<16xf32>
        %add3A_82 = arith.addf %get3A_77, %get3A_81 : vector<16xf32>
        %max3A_83 = arith.constant 0.000000e+00 : f32
        %max3A_84 = vector.broadcast %max3A_83 : f32 to vector<16xf32>
        %max3A_85 = arith.maximumf %add3A_82, %max3A_84 : vector<16xf32>
        %swap3A_86 = arith.index_cast %scan3A_42 : i32 to index
        %swap3A_87 = arith.constant 32 : index
        %swap3A_88 = tpu.vector_load %arg12[%swap3A_86, %swap3A_87] {strides = array<i32>} : memref<80x128xf32, #tpu.memory_space<vmem>>, vector<1x16xf32>,
        %swap3A_89 = vector.shape_cast %swap3A_88 : vector<1x16xf32> to vector<16xf32>
        %swap3A_90 = vector.shape_cast %max3A_85 : vector<16xf32> to vector<1x16xf32>
        tpu.vector_store %arg12[%swap3A_86, %swap3A_87], %swap3A_90 {strides = array<i32>} : memref<80x128xf32, #tpu.memory_space<vmem>>, vector<1x16xf32>,
        %get3A_91 = arith.index_cast %scan3A_42 : i32 to index
        %get3A_92 = arith.constant 48 : index
        %get3A_93 = tpu.vector_load %arg12[%get3A_91, %get3A_92] {strides = array<i32>} : memref<80x128xf32, #tpu.memory_space<vmem>>, vector<1x16xf32>,
        %get3A_94 = vector.shape_cast %get3A_93 : vector<1x16xf32> to vector<16xf32>
        %get3A_95 = arith.index_cast %scan3A_42 : i32 to index
        %get3A_96 = arith.constant 48 : index
        %get3A_97 = tpu.vector_load %arg13[%get3A_95, %get3A_96] {strides = array<i32>} : memref<80x128xf32, #tpu.memory_space<vmem>>, vector<1x16xf32>,
        %get3A_98 = vector.shape_cast %get3A_97 : vector<1x16xf32> to vector<16xf32>
        %add3A_99 = arith.addf %get3A_94, %get3A_98 : vector<16xf32>
        %max3A_100 = arith.constant 0.000000e+00 : f32
        %max3A_101 = vector.broadcast %max3A_100 : f32 to vector<16xf32>
        %max3A_102 = arith.maximumf %add3A_99, %max3A_101 : vector<16xf32>
        %swap3A_103 = arith.index_cast %scan3A_42 : i32 to index
        %swap3A_104 = arith.constant 48 : index
        %swap3A_105 = tpu.vector_load %arg12[%swap3A_103, %swap3A_104] {strides = array<i32>} : memref<80x128xf32, #tpu.memory_space<vmem>>, vector<1x16xf32>,
        %swap3A_106 = vector.shape_cast %swap3A_105 : vector<1x16xf32> to vector<16xf32>
        %swap3A_107 = vector.shape_cast %max3A_102 : vector<16xf32> to vector<1x16xf32>
        tpu.vector_store %arg12[%swap3A_103, %swap3A_104], %swap3A_107 {strides = array<i32>} : memref<80x128xf32, #tpu.memory_space<vmem>>, vector<1x16xf32>,
        %get3A_108 = arith.index_cast %scan3A_42 : i32 to index
        %get3A_109 = arith.constant 64 : index
        %get3A_110 = tpu.vector_load %arg12[%get3A_108, %get3A_109] {strides = array<i32>} : memref<80x128xf32, #tpu.memory_space<vmem>>, vector<1x16xf32>,
        %get3A_111 = vector.shape_cast %get3A_110 : vector<1x16xf32> to vector<16xf32>
        %get3A_112 = arith.index_cast %scan3A_42 : i32 to index
        %get3A_113 = arith.constant 64 : index
        %get3A_114 = tpu.vector_load %arg13[%get3A_112, %get3A_113] {strides = array<i32>} : memref<80x128xf32, #tpu.memory_space<vmem>>, vector<1x16xf32>,
        %get3A_115 = vector.shape_cast %get3A_114 : vector<1x16xf32> to vector<16xf32>
        %add3A_116 = arith.addf %get3A_111, %get3A_115 : vector<16xf32>
        %max3A_117 = arith.constant 0.000000e+00 : f32
        %max3A_118 = vector.broadcast %max3A_117 : f32 to vector<16xf32>
        %max3A_119 = arith.maximumf %add3A_116, %max3A_118 : vector<16xf32>
        %swap3A_120 = arith.index_cast %scan3A_42 : i32 to index
        %swap3A_121 = arith.constant 64 : index
        %swap3A_122 = tpu.vector_load %arg12[%swap3A_120, %swap3A_121] {strides = array<i32>} : memref<80x128xf32, #tpu.memory_space<vmem>>, vector<1x16xf32>,
        %swap3A_123 = vector.shape_cast %swap3A_122 : vector<1x16xf32> to vector<16xf32>
        %swap3A_124 = vector.shape_cast %max3A_119 : vector<16xf32> to vector<1x16xf32>
        tpu.vector_store %arg12[%swap3A_120, %swap3A_121], %swap3A_124 {strides = array<i32>} : memref<80x128xf32, #tpu.memory_space<vmem>>, vector<1x16xf32>,
        %get3A_125 = arith.index_cast %scan3A_42 : i32 to index
        %get3A_126 = arith.constant 80 : index
        %get3A_127 = tpu.vector_load %arg12[%get3A_125, %get3A_126] {strides = array<i32>} : memref<80x128xf32, #tpu.memory_space<vmem>>, vector<1x16xf32>,
        %get3A_128 = vector.shape_cast %get3A_127 : vector<1x16xf32> to vector<16xf32>
        %get3A_129 = arith.index_cast %scan3A_42 : i32 to index
        %get3A_130 = arith.constant 80 : index
        %get3A_131 = tpu.vector_load %arg13[%get3A_129, %get3A_130] {strides = array<i32>} : memref<80x128xf32, #tpu.memory_space<vmem>>, vector<1x16xf32>,
        %get3A_132 = vector.shape_cast %get3A_131 : vector<1x16xf32> to vector<16xf32>
        %add3A_133 = arith.addf %get3A_128, %get3A_132 : vector<16xf32>
        %max3A_134 = arith.constant 0.000000e+00 : f32
        %max3A_135 = vector.broadcast %max3A_134 : f32 to vector<16xf32>
        %max3A_136 = arith.maximumf %add3A_133, %max3A_135 : vector<16xf32>
        %swap3A_137 = arith.index_cast %scan3A_42 : i32 to index
        %swap3A_138 = arith.constant 80 : index
        %swap3A_139 = tpu.vector_load %arg12[%swap3A_137, %swap3A_138] {strides = array<i32>} : memref<80x128xf32, #tpu.memory_space<vmem>>, vector<1x16xf32>,
        %swap3A_140 = vector.shape_cast %swap3A_139 : vector<1x16xf32> to vector<16xf32>
        %swap3A_141 = vector.shape_cast %max3A_136 : vector<16xf32> to vector<1x16xf32>
        tpu.vector_store %arg12[%swap3A_137, %swap3A_138], %swap3A_141 {strides = array<i32>} : memref<80x128xf32, #tpu.memory_space<vmem>>, vector<1x16xf32>,
        %get3A_142 = arith.index_cast %scan3A_42 : i32 to index
        %get3A_143 = arith.constant 96 : index
        %get3A_144 = tpu.vector_load %arg12[%get3A_142, %get3A_143] {strides = array<i32>} : memref<80x128xf32, #tpu.memory_space<vmem>>, vector<1x16xf32>,
        %get3A_145 = vector.shape_cast %get3A_144 : vector<1x16xf32> to vector<16xf32>
        %get3A_146 = arith.index_cast %scan3A_42 : i32 to index
        %get3A_147 = arith.constant 96 : index
        %get3A_148 = tpu.vector_load %arg13[%get3A_146, %get3A_147] {strides = array<i32>} : memref<80x128xf32, #tpu.memory_space<vmem>>, vector<1x16xf32>,
        %get3A_149 = vector.shape_cast %get3A_148 : vector<1x16xf32> to vector<16xf32>
        %add3A_150 = arith.addf %get3A_145, %get3A_149 : vector<16xf32>
        %max3A_151 = arith.constant 0.000000e+00 : f32
        %max3A_152 = vector.broadcast %max3A_151 : f32 to vector<16xf32>
        %max3A_153 = arith.maximumf %add3A_150, %max3A_152 : vector<16xf32>
        %swap3A_154 = arith.index_cast %scan3A_42 : i32 to index
        %swap3A_155 = arith.constant 96 : index
        %swap3A_156 = tpu.vector_load %arg12[%swap3A_154, %swap3A_155] {strides = array<i32>} : memref<80x128xf32, #tpu.memory_space<vmem>>, vector<1x16xf32>,
        %swap3A_157 = vector.shape_cast %swap3A_156 : vector<1x16xf32> to vector<16xf32>
        %swap3A_158 = vector.shape_cast %max3A_153 : vector<16xf32> to vector<1x16xf32>
        tpu.vector_store %arg12[%swap3A_154, %swap3A_155], %swap3A_158 {strides = array<i32>} : memref<80x128xf32, #tpu.memory_space<vmem>>, vector<1x16xf32>,
        %get3A_159 = arith.index_cast %scan3A_42 : i32 to index
        %get3A_160 = arith.constant 112 : index
        %get3A_161 = tpu.vector_load %arg12[%get3A_159, %get3A_160] {strides = array<i32>} : memref<80x128xf32, #tpu.memory_space<vmem>>, vector<1x16xf32>,
        %get3A_162 = vector.shape_cast %get3A_161 : vector<1x16xf32> to vector<16xf32>
        %get3A_163 = arith.index_cast %scan3A_42 : i32 to index
        %get3A_164 = arith.constant 112 : index
        %get3A_165 = tpu.vector_load %arg13[%get3A_163, %get3A_164] {strides = array<i32>} : memref<80x128xf32, #tpu.memory_space<vmem>>, vector<1x16xf32>,
        %get3A_166 = vector.shape_cast %get3A_165 : vector<1x16xf32> to vector<16xf32>
        %add3A_167 = arith.addf %get3A_162, %get3A_166 : vector<16xf32>
        %max3A_168 = arith.constant 0.000000e+00 : f32
        %max3A_169 = vector.broadcast %max3A_168 : f32 to vector<16xf32>
        %max3A_170 = arith.maximumf %add3A_167, %max3A_169 : vector<16xf32>
        %swap3A_171 = arith.index_cast %scan3A_42 : i32 to index
        %swap3A_172 = arith.constant 112 : index
        %swap3A_173 = tpu.vector_load %arg12[%swap3A_171, %swap3A_172] {strides = array<i32>} : memref<80x128xf32, #tpu.memory_space<vmem>>, vector<1x16xf32>,
        %swap3A_174 = vector.shape_cast %swap3A_173 : vector<1x16xf32> to vector<16xf32>
        %swap3A_175 = vector.shape_cast %max3A_170 : vector<16xf32> to vector<1x16xf32>
        tpu.vector_store %arg12[%swap3A_171, %swap3A_172], %swap3A_175 {strides = array<i32>} : memref<80x128xf32, #tpu.memory_space<vmem>>, vector<1x16xf32>,
      }
      %scan3A_41 = arith.constant 80 : i32
      "tpu.region"() ({
        %run_scoped3A = tpu.sem_alloc : memref<!tpu.dma_semaphore, #tpu.memory_space<semaphore_mem>>
        %dma_start3A_42 = arith.constant 0 : i32
        %dma_start3A_43 = arith.constant 0 : i32
        %dma_start3A_44 = tpu.memref_slice %arg15[%dma_start3A_42, %dma_start3A_43] : memref<10240x128xf32, #tpu.memory_space<vmem_shared>> -> memref<10240x128xf32, #tpu.memory_space<vmem_shared>>
        tpu.enqueue_indirect_dma source(%arg12 : memref<80x128xf32, #tpu.memory_space<vmem>>) target(%dma_start3A_44 : memref<10240x128xf32, #tpu.memory_space<vmem_shared>>) offsets(%arg11 : memref<80xi32, #tpu.memory_space<vmem>>) semaphore(%run_scoped3A : memref<!tpu.dma_semaphore, #tpu.memory_space<semaphore_mem>>) {add = true}
        %dma_wait3A_45 = arith.constant 0 : i32
        %dma_wait3A_46 = arith.constant 0 : i32
        %dma_wait3A_47 = tpu.memref_slice %arg15[%dma_wait3A_45, %dma_wait3A_46] : memref<10240x128xf32, #tpu.memory_space<vmem_shared>> -> memref<10240x128xf32, #tpu.memory_space<vmem_shared>>
        tpu.wait_indirect_dma semaphore(%run_scoped3A : memref<!tpu.dma_semaphore, #tpu.memory_space<semaphore_mem>>) src(%arg12 : memref<80x128xf32, #tpu.memory_space<vmem>>) dst(%dma_wait3A_47 : memref<10240x128xf32, #tpu.memory_space<vmem_shared>>)
        tpu.yield
      }) : () -> ()
      "tpu.region"() ({
        %run_scoped3A = tpu.sem_alloc : memref<!tpu.dma_semaphore, #tpu.memory_space<semaphore_mem>>
        %dma_start3A_42 = arith.constant 0 : i32
        %dma_start3A_43 = tpu.memref_slice %arg16[%dma_start3A_42] : memref<10240xf32, #tpu.memory_space<vmem_shared>> -> memref<10240xf32, #tpu.memory_space<vmem_shared>>
        tpu.enqueue_indirect_dma source(%arg14 : memref<80xf32, #tpu.memory_space<vmem>>) target(%dma_start3A_43 : memref<10240xf32, #tpu.memory_space<vmem_shared>>) offsets(%arg11 : memref<80xi32, #tpu.memory_space<vmem>>) semaphore(%run_scoped3A : memref<!tpu.dma_semaphore, #tpu.memory_space<semaphore_mem>>) {add = true}
        %dma_wait3A_44 = arith.constant 0 : i32
        %dma_wait3A_45 = tpu.memref_slice %arg16[%dma_wait3A_44] : memref<10240xf32, #tpu.memory_space<vmem_shared>> -> memref<10240xf32, #tpu.memory_space<vmem_shared>>
        tpu.wait_indirect_dma semaphore(%run_scoped3A : memref<!tpu.dma_semaphore, #tpu.memory_space<semaphore_mem>>) src(%arg14 : memref<80xf32, #tpu.memory_space<vmem>>) dst(%dma_wait3A_45 : memref<10240xf32, #tpu.memory_space<vmem_shared>>)
        tpu.yield
      }) : () -> ()
    }
    %scan3A_14 = arith.constant 125 : i32
    %barrier3A_15 = arith.constant 0 : index
    tpu.barrier barrier_id(%barrier3A_15)
    %mul3A_16 = arith.constant 640 : i32
    %mul3A_17 = arith.muli %arg1, %mul3A_16 : i32
    %mul3A_18 = arith.constant 640 : i32
    %mul3A_19 = arith.muli %arg1, %mul3A_18 : i32
    "tpu.region"() ({
      %run_scoped3A = tpu.sem_alloc : memref<!tpu.dma_semaphore, #tpu.memory_space<semaphore_mem>>
      %dma_start3A = arith.constant 0 : i32
      %dma_start3A_24 = tpu.memref_slice %arg8[%arg0, %mul3A_19, %dma_start3A] : memref<2x10240x128xf32, #tpu.memory_space<hbm>> -> memref<1x640x128xf32, #tpu.memory_space<hbm>>
      %dma_start3A_25 = tpu.memref_squeeze %dma_start3A_24 : memref<1x640x128xf32, #tpu.memory_space<hbm>> -> memref<640x128xf32, #tpu.memory_space<hbm>>
      %dma_start3A_26 = arith.constant 0 : i32
      %dma_start3A_27 = tpu.memref_slice %arg15[%mul3A_17, %dma_start3A_26] : memref<10240x128xf32, #tpu.memory_space<vmem_shared>> -> memref<640x128xf32, #tpu.memory_space<vmem_shared>>
      tpu.enqueue_dma source(%dma_start3A_27 : memref<640x128xf32, #tpu.memory_space<vmem_shared>>) target(%dma_start3A_25 : memref<640x128xf32, #tpu.memory_space<hbm>>) target_semaphore(%run_scoped3A : memref<!tpu.dma_semaphore, #tpu.memory_space<semaphore_mem>>)
      %dma_wait3A = arith.constant 0 : i32
      %dma_wait3A_28 = tpu.memref_slice %arg8[%arg0, %mul3A_19, %dma_wait3A] : memref<2x10240x128xf32, #tpu.memory_space<hbm>> -> memref<1x640x128xf32, #tpu.memory_space<hbm>>
      %dma_wait3A_29 = tpu.memref_squeeze %dma_wait3A_28 : memref<1x640x128xf32, #tpu.memory_space<hbm>> -> memref<640x128xf32, #tpu.memory_space<hbm>>
      %dma_wait3A_30 = arith.constant 0 : i32
      %dma_wait3A_31 = tpu.memref_slice %arg15[%mul3A_17, %dma_wait3A_30] : memref<10240x128xf32, #tpu.memory_space<vmem_shared>> -> memref<640x128xf32, #tpu.memory_space<vmem_shared>>
      tpu.wait_dma2 semaphore(%run_scoped3A : memref<!tpu.dma_semaphore, #tpu.memory_space<semaphore_mem>>) src(%dma_wait3A_31 : memref<640x128xf32, #tpu.memory_space<vmem_shared>>) dst(%dma_wait3A_29 : memref<640x128xf32, #tpu.memory_space<hbm>>)
      tpu.yield
    }) : () -> ()
    %mul3A_20 = arith.constant 640 : i32
    %mul3A_21 = arith.muli %arg1, %mul3A_20 : i32
    %mul3A_22 = arith.constant 640 : i32
    %mul3A_23 = arith.muli %arg1, %mul3A_22 : i32
    "tpu.region"() ({
      %run_scoped3A = tpu.sem_alloc : memref<!tpu.dma_semaphore, #tpu.memory_space<semaphore_mem>>
      %dma_start3A = tpu.memref_slice %arg9[%arg0, %mul3A_23] : memref<2x10240xf32, #tpu.memory_space<hbm>> -> memref<1x640xf32, #tpu.memory_space<hbm>>
      %dma_start3A_24 = tpu.memref_squeeze %dma_start3A : memref<1x640xf32, #tpu.memory_space<hbm>> -> memref<640xf32, #tpu.memory_space<hbm>>
      %dma_start3A_25 = tpu.memref_slice %arg16[%mul3A_21] : memref<10240xf32, #tpu.memory_space<vmem_shared>> -> memref<640xf32, #tpu.memory_space<vmem_shared>>
      tpu.enqueue_dma source(%dma_start3A_25 : memref<640xf32, #tpu.memory_space<vmem_shared>>) target(%dma_start3A_24 : memref<640xf32, #tpu.memory_space<hbm>>) target_semaphore(%run_scoped3A : memref<!tpu.dma_semaphore, #tpu.memory_space<semaphore_mem>>)
      %dma_wait3A = tpu.memref_slice %arg9[%arg0, %mul3A_23] : memref<2x10240xf32, #tpu.memory_space<hbm>> -> memref<1x640xf32, #tpu.memory_space<hbm>>
      %dma_wait3A_26 = tpu.memref_squeeze %dma_wait3A : memref<1x640xf32, #tpu.memory_space<hbm>> -> memref<640xf32, #tpu.memory_space<hbm>>
      %dma_wait3A_27 = tpu.memref_slice %arg16[%mul3A_21] : memref<10240xf32, #tpu.memory_space<vmem_shared>> -> memref<640xf32, #tpu.memory_space<vmem_shared>>
      tpu.wait_dma2 semaphore(%run_scoped3A : memref<!tpu.dma_semaphore, #tpu.memory_space<semaphore_mem>>) src(%dma_wait3A_27 : memref<640xf32, #tpu.memory_space<vmem_shared>>) dst(%dma_wait3A_26 : memref<640xf32, #tpu.memory_space<hbm>>)
      tpu.yield
    }) : () -> ()
    return
  }
}

#map = affine_map<(d0, d1) -> (0, 0)>
#map1 = affine_map<(d0, d1) -> (0)>
module attributes {stable_mosaic.version = 14 : i64} {
  func.func @_gather_body(%arg0: i32, %arg1: i32, %arg2: memref<10000x128xf32, #tpu.memory_space<hbm>>, %arg3: memref<10000x128xf32, #tpu.memory_space<hbm>>, %arg4: memref<320000xi32, #tpu.memory_space<hbm>>, %arg5: memref<320000xi32, #tpu.memory_space<hbm>>, %arg6: memref<320000x128xf32, #tpu.memory_space<hbm>>, %arg7: memref<80xi32, #tpu.memory_space<vmem>>, %arg8: memref<80xi32, #tpu.memory_space<vmem>>, %arg9: memref<80x128xf32, #tpu.memory_space<vmem>>, %arg10: memref<80x128xf32, #tpu.memory_space<vmem>>, %arg11: memref<!tpu.dma_semaphore, #tpu.memory_space<semaphore_mem>>) attributes {dimension_semantics = [#tpu.dimension_semantics<core_parallel>, #tpu.dimension_semantics<subcore_parallel>], iteration_bounds = array<i64: 2, 16>, scalar_prefetch = 0 : i64, scratch_operands = 5 : i64, tpu.core_type = #tpu.core_type<sc_vector_subcore>, window_params = [{transform_indices = #map}, {transform_indices = #map}, {transform_indices = #map1}, {transform_indices = #map1}, {transform_indices = #map}]} {
    %mul3A = arith.constant 16 : i32
    %mul3A_0 = arith.muli %arg0, %mul3A : i32
    %add3A = arith.addi %mul3A_0, %arg1 : i32
    %scan3A = arith.constant 0 : i32
    %scan3A_1 = arith.constant 0 : i32
    %scan3A_2 = arith.constant 125 : i32
    %scan3A_3 = arith.addi %scan3A_1, %scan3A_2 : i32
    %scan3A_4 = arith.constant 1 : i32
    scf.for %scan3A_6 = %scan3A_1 to %scan3A_3 step %scan3A_4  : i32 {
      %mul3A_7 = arith.constant 10000 : i32
      %mul3A_8 = arith.muli %add3A, %mul3A_7 : i32
      %mul3A_9 = arith.constant 80 : i32
      %mul3A_10 = arith.muli %scan3A_6, %mul3A_9 : i32
      %add3A_11 = arith.addi %mul3A_8, %mul3A_10 : i32
      "tpu.region"() ({
        %run_scoped3A = tpu.sem_alloc : memref<!tpu.dma_semaphore, #tpu.memory_space<semaphore_mem>>
        %dma_start3A_28 = tpu.memref_slice %arg4[%add3A_11] : memref<320000xi32, #tpu.memory_space<hbm>> -> memref<80xi32, #tpu.memory_space<hbm>>
        %dma_start3A_29 = tpu.memref_slice %arg4[%add3A_11] : memref<320000xi32, #tpu.memory_space<hbm>> -> memref<80xi32, #tpu.memory_space<hbm>>
        tpu.enqueue_dma source(%dma_start3A_29 : memref<80xi32, #tpu.memory_space<hbm>>) target(%arg7 : memref<80xi32, #tpu.memory_space<vmem>>) target_semaphore(%run_scoped3A : memref<!tpu.dma_semaphore, #tpu.memory_space<semaphore_mem>>)
        %dma_wait3A_30 = tpu.memref_slice %arg4[%add3A_11] : memref<320000xi32, #tpu.memory_space<hbm>> -> memref<80xi32, #tpu.memory_space<hbm>>
        %dma_wait3A_31 = tpu.memref_slice %arg4[%add3A_11] : memref<320000xi32, #tpu.memory_space<hbm>> -> memref<80xi32, #tpu.memory_space<hbm>>
        tpu.wait_dma2 semaphore(%run_scoped3A : memref<!tpu.dma_semaphore, #tpu.memory_space<semaphore_mem>>) src(%dma_wait3A_31 : memref<80xi32, #tpu.memory_space<hbm>>) dst(%arg7 : memref<80xi32, #tpu.memory_space<vmem>>)
        tpu.yield
      }) : () -> ()
      "tpu.region"() ({
        %run_scoped3A = tpu.sem_alloc : memref<!tpu.dma_semaphore, #tpu.memory_space<semaphore_mem>>
        %dma_start3A_28 = tpu.memref_slice %arg5[%add3A_11] : memref<320000xi32, #tpu.memory_space<hbm>> -> memref<80xi32, #tpu.memory_space<hbm>>
        %dma_start3A_29 = tpu.memref_slice %arg5[%add3A_11] : memref<320000xi32, #tpu.memory_space<hbm>> -> memref<80xi32, #tpu.memory_space<hbm>>
        tpu.enqueue_dma source(%dma_start3A_29 : memref<80xi32, #tpu.memory_space<hbm>>) target(%arg8 : memref<80xi32, #tpu.memory_space<vmem>>) target_semaphore(%run_scoped3A : memref<!tpu.dma_semaphore, #tpu.memory_space<semaphore_mem>>)
        %dma_wait3A_30 = tpu.memref_slice %arg5[%add3A_11] : memref<320000xi32, #tpu.memory_space<hbm>> -> memref<80xi32, #tpu.memory_space<hbm>>
        %dma_wait3A_31 = tpu.memref_slice %arg5[%add3A_11] : memref<320000xi32, #tpu.memory_space<hbm>> -> memref<80xi32, #tpu.memory_space<hbm>>
        tpu.wait_dma2 semaphore(%run_scoped3A : memref<!tpu.dma_semaphore, #tpu.memory_space<semaphore_mem>>) src(%dma_wait3A_31 : memref<80xi32, #tpu.memory_space<hbm>>) dst(%arg8 : memref<80xi32, #tpu.memory_space<vmem>>)
        tpu.yield
      }) : () -> ()
      %dma_start3A = arith.constant 0 : i32
      %dma_start3A_12 = arith.constant 0 : i32
      %dma_start3A_13 = tpu.memref_slice %arg2[%dma_start3A, %dma_start3A_12] : memref<10000x128xf32, #tpu.memory_space<hbm>> -> memref<10000x128xf32, #tpu.memory_space<hbm>>
      tpu.enqueue_indirect_dma source(%dma_start3A_13 : memref<10000x128xf32, #tpu.memory_space<hbm>>) target(%arg9 : memref<80x128xf32, #tpu.memory_space<vmem>>) offsets(%arg7 : memref<80xi32, #tpu.memory_space<vmem>>) semaphore(%arg11 : memref<!tpu.dma_semaphore, #tpu.memory_space<semaphore_mem>>)
      %dma_start3A_14 = arith.constant 0 : i32
      %dma_start3A_15 = arith.constant 0 : i32
      %dma_start3A_16 = tpu.memref_slice %arg3[%dma_start3A_14, %dma_start3A_15] : memref<10000x128xf32, #tpu.memory_space<hbm>> -> memref<10000x128xf32, #tpu.memory_space<hbm>>
      tpu.enqueue_indirect_dma source(%dma_start3A_16 : memref<10000x128xf32, #tpu.memory_space<hbm>>) target(%arg10 : memref<80x128xf32, #tpu.memory_space<vmem>>) offsets(%arg8 : memref<80xi32, #tpu.memory_space<vmem>>) semaphore(%arg11 : memref<!tpu.dma_semaphore, #tpu.memory_space<semaphore_mem>>)
      %dma_wait3A = arith.constant 0 : i32
      %dma_wait3A_17 = arith.constant 0 : i32
      %dma_wait3A_18 = tpu.memref_slice %arg2[%dma_wait3A, %dma_wait3A_17] : memref<10000x128xf32, #tpu.memory_space<hbm>> -> memref<10000x128xf32, #tpu.memory_space<hbm>>
      tpu.wait_indirect_dma semaphore(%arg11 : memref<!tpu.dma_semaphore, #tpu.memory_space<semaphore_mem>>) src(%dma_wait3A_18 : memref<10000x128xf32, #tpu.memory_space<hbm>>) dst(%arg9 : memref<80x128xf32, #tpu.memory_space<vmem>>)
      %dma_wait3A_19 = arith.constant 0 : i32
      %dma_wait3A_20 = arith.constant 0 : i32
      %dma_wait3A_21 = tpu.memref_slice %arg3[%dma_wait3A_19, %dma_wait3A_20] : memref<10000x128xf32, #tpu.memory_space<hbm>> -> memref<10000x128xf32, #tpu.memory_space<hbm>>
      tpu.wait_indirect_dma semaphore(%arg11 : memref<!tpu.dma_semaphore, #tpu.memory_space<semaphore_mem>>) src(%dma_wait3A_21 : memref<10000x128xf32, #tpu.memory_space<hbm>>) dst(%arg10 : memref<80x128xf32, #tpu.memory_space<vmem>>)
      %scan3A_22 = arith.constant 0 : i32
      %scan3A_23 = arith.constant 0 : i32
      %scan3A_24 = arith.constant 80 : i32
      %scan3A_25 = arith.addi %scan3A_23, %scan3A_24 : i32
      %scan3A_26 = arith.constant 1 : i32
      scf.for %scan3A_28 = %scan3A_23 to %scan3A_25 step %scan3A_26  : i32 {
        %get3A = arith.index_cast %scan3A_28 : i32 to index
        %get3A_29 = arith.constant 0 : index
        %get3A_30 = tpu.vector_load %arg9[%get3A, %get3A_29] {strides = array<i32>} : memref<80x128xf32, #tpu.memory_space<vmem>>, vector<1x16xf32>,
        %get3A_31 = vector.shape_cast %get3A_30 : vector<1x16xf32> to vector<16xf32>
        %get3A_32 = arith.index_cast %scan3A_28 : i32 to index
        %get3A_33 = arith.constant 0 : index
        %get3A_34 = tpu.vector_load %arg10[%get3A_32, %get3A_33] {strides = array<i32>} : memref<80x128xf32, #tpu.memory_space<vmem>>, vector<1x16xf32>,
        %get3A_35 = vector.shape_cast %get3A_34 : vector<1x16xf32> to vector<16xf32>
        %add3A_36 = arith.addf %get3A_31, %get3A_35 : vector<16xf32>
        %swap3A = arith.index_cast %scan3A_28 : i32 to index
        %swap3A_37 = arith.constant 0 : index
        %swap3A_38 = tpu.vector_load %arg9[%swap3A, %swap3A_37] {strides = array<i32>} : memref<80x128xf32, #tpu.memory_space<vmem>>, vector<1x16xf32>,
        %swap3A_39 = vector.shape_cast %swap3A_38 : vector<1x16xf32> to vector<16xf32>
        %swap3A_40 = vector.shape_cast %add3A_36 : vector<16xf32> to vector<1x16xf32>
        tpu.vector_store %arg9[%swap3A, %swap3A_37], %swap3A_40 {strides = array<i32>} : memref<80x128xf32, #tpu.memory_space<vmem>>, vector<1x16xf32>,
        %get3A_41 = arith.index_cast %scan3A_28 : i32 to index
        %get3A_42 = arith.constant 16 : index
        %get3A_43 = tpu.vector_load %arg9[%get3A_41, %get3A_42] {strides = array<i32>} : memref<80x128xf32, #tpu.memory_space<vmem>>, vector<1x16xf32>,
        %get3A_44 = vector.shape_cast %get3A_43 : vector<1x16xf32> to vector<16xf32>
        %get3A_45 = arith.index_cast %scan3A_28 : i32 to index
        %get3A_46 = arith.constant 16 : index
        %get3A_47 = tpu.vector_load %arg10[%get3A_45, %get3A_46] {strides = array<i32>} : memref<80x128xf32, #tpu.memory_space<vmem>>, vector<1x16xf32>,
        %get3A_48 = vector.shape_cast %get3A_47 : vector<1x16xf32> to vector<16xf32>
        %add3A_49 = arith.addf %get3A_44, %get3A_48 : vector<16xf32>
        %swap3A_50 = arith.index_cast %scan3A_28 : i32 to index
        %swap3A_51 = arith.constant 16 : index
        %swap3A_52 = tpu.vector_load %arg9[%swap3A_50, %swap3A_51] {strides = array<i32>} : memref<80x128xf32, #tpu.memory_space<vmem>>, vector<1x16xf32>,
        %swap3A_53 = vector.shape_cast %swap3A_52 : vector<1x16xf32> to vector<16xf32>
        %swap3A_54 = vector.shape_cast %add3A_49 : vector<16xf32> to vector<1x16xf32>
        tpu.vector_store %arg9[%swap3A_50, %swap3A_51], %swap3A_54 {strides = array<i32>} : memref<80x128xf32, #tpu.memory_space<vmem>>, vector<1x16xf32>,
        %get3A_55 = arith.index_cast %scan3A_28 : i32 to index
        %get3A_56 = arith.constant 32 : index
        %get3A_57 = tpu.vector_load %arg9[%get3A_55, %get3A_56] {strides = array<i32>} : memref<80x128xf32, #tpu.memory_space<vmem>>, vector<1x16xf32>,
        %get3A_58 = vector.shape_cast %get3A_57 : vector<1x16xf32> to vector<16xf32>
        %get3A_59 = arith.index_cast %scan3A_28 : i32 to index
        %get3A_60 = arith.constant 32 : index
        %get3A_61 = tpu.vector_load %arg10[%get3A_59, %get3A_60] {strides = array<i32>} : memref<80x128xf32, #tpu.memory_space<vmem>>, vector<1x16xf32>,
        %get3A_62 = vector.shape_cast %get3A_61 : vector<1x16xf32> to vector<16xf32>
        %add3A_63 = arith.addf %get3A_58, %get3A_62 : vector<16xf32>
        %swap3A_64 = arith.index_cast %scan3A_28 : i32 to index
        %swap3A_65 = arith.constant 32 : index
        %swap3A_66 = tpu.vector_load %arg9[%swap3A_64, %swap3A_65] {strides = array<i32>} : memref<80x128xf32, #tpu.memory_space<vmem>>, vector<1x16xf32>,
        %swap3A_67 = vector.shape_cast %swap3A_66 : vector<1x16xf32> to vector<16xf32>
        %swap3A_68 = vector.shape_cast %add3A_63 : vector<16xf32> to vector<1x16xf32>
        tpu.vector_store %arg9[%swap3A_64, %swap3A_65], %swap3A_68 {strides = array<i32>} : memref<80x128xf32, #tpu.memory_space<vmem>>, vector<1x16xf32>,
        %get3A_69 = arith.index_cast %scan3A_28 : i32 to index
        %get3A_70 = arith.constant 48 : index
        %get3A_71 = tpu.vector_load %arg9[%get3A_69, %get3A_70] {strides = array<i32>} : memref<80x128xf32, #tpu.memory_space<vmem>>, vector<1x16xf32>,
        %get3A_72 = vector.shape_cast %get3A_71 : vector<1x16xf32> to vector<16xf32>
        %get3A_73 = arith.index_cast %scan3A_28 : i32 to index
        %get3A_74 = arith.constant 48 : index
        %get3A_75 = tpu.vector_load %arg10[%get3A_73, %get3A_74] {strides = array<i32>} : memref<80x128xf32, #tpu.memory_space<vmem>>, vector<1x16xf32>,
        %get3A_76 = vector.shape_cast %get3A_75 : vector<1x16xf32> to vector<16xf32>
        %add3A_77 = arith.addf %get3A_72, %get3A_76 : vector<16xf32>
        %swap3A_78 = arith.index_cast %scan3A_28 : i32 to index
        %swap3A_79 = arith.constant 48 : index
        %swap3A_80 = tpu.vector_load %arg9[%swap3A_78, %swap3A_79] {strides = array<i32>} : memref<80x128xf32, #tpu.memory_space<vmem>>, vector<1x16xf32>,
        %swap3A_81 = vector.shape_cast %swap3A_80 : vector<1x16xf32> to vector<16xf32>
        %swap3A_82 = vector.shape_cast %add3A_77 : vector<16xf32> to vector<1x16xf32>
        tpu.vector_store %arg9[%swap3A_78, %swap3A_79], %swap3A_82 {strides = array<i32>} : memref<80x128xf32, #tpu.memory_space<vmem>>, vector<1x16xf32>,
        %get3A_83 = arith.index_cast %scan3A_28 : i32 to index
        %get3A_84 = arith.constant 64 : index
        %get3A_85 = tpu.vector_load %arg9[%get3A_83, %get3A_84] {strides = array<i32>} : memref<80x128xf32, #tpu.memory_space<vmem>>, vector<1x16xf32>,
        %get3A_86 = vector.shape_cast %get3A_85 : vector<1x16xf32> to vector<16xf32>
        %get3A_87 = arith.index_cast %scan3A_28 : i32 to index
        %get3A_88 = arith.constant 64 : index
        %get3A_89 = tpu.vector_load %arg10[%get3A_87, %get3A_88] {strides = array<i32>} : memref<80x128xf32, #tpu.memory_space<vmem>>, vector<1x16xf32>,
        %get3A_90 = vector.shape_cast %get3A_89 : vector<1x16xf32> to vector<16xf32>
        %add3A_91 = arith.addf %get3A_86, %get3A_90 : vector<16xf32>
        %swap3A_92 = arith.index_cast %scan3A_28 : i32 to index
        %swap3A_93 = arith.constant 64 : index
        %swap3A_94 = tpu.vector_load %arg9[%swap3A_92, %swap3A_93] {strides = array<i32>} : memref<80x128xf32, #tpu.memory_space<vmem>>, vector<1x16xf32>,
        %swap3A_95 = vector.shape_cast %swap3A_94 : vector<1x16xf32> to vector<16xf32>
        %swap3A_96 = vector.shape_cast %add3A_91 : vector<16xf32> to vector<1x16xf32>
        tpu.vector_store %arg9[%swap3A_92, %swap3A_93], %swap3A_96 {strides = array<i32>} : memref<80x128xf32, #tpu.memory_space<vmem>>, vector<1x16xf32>,
        %get3A_97 = arith.index_cast %scan3A_28 : i32 to index
        %get3A_98 = arith.constant 80 : index
        %get3A_99 = tpu.vector_load %arg9[%get3A_97, %get3A_98] {strides = array<i32>} : memref<80x128xf32, #tpu.memory_space<vmem>>, vector<1x16xf32>,
        %get3A_100 = vector.shape_cast %get3A_99 : vector<1x16xf32> to vector<16xf32>
        %get3A_101 = arith.index_cast %scan3A_28 : i32 to index
        %get3A_102 = arith.constant 80 : index
        %get3A_103 = tpu.vector_load %arg10[%get3A_101, %get3A_102] {strides = array<i32>} : memref<80x128xf32, #tpu.memory_space<vmem>>, vector<1x16xf32>,
        %get3A_104 = vector.shape_cast %get3A_103 : vector<1x16xf32> to vector<16xf32>
        %add3A_105 = arith.addf %get3A_100, %get3A_104 : vector<16xf32>
        %swap3A_106 = arith.index_cast %scan3A_28 : i32 to index
        %swap3A_107 = arith.constant 80 : index
        %swap3A_108 = tpu.vector_load %arg9[%swap3A_106, %swap3A_107] {strides = array<i32>} : memref<80x128xf32, #tpu.memory_space<vmem>>, vector<1x16xf32>,
        %swap3A_109 = vector.shape_cast %swap3A_108 : vector<1x16xf32> to vector<16xf32>
        %swap3A_110 = vector.shape_cast %add3A_105 : vector<16xf32> to vector<1x16xf32>
        tpu.vector_store %arg9[%swap3A_106, %swap3A_107], %swap3A_110 {strides = array<i32>} : memref<80x128xf32, #tpu.memory_space<vmem>>, vector<1x16xf32>,
        %get3A_111 = arith.index_cast %scan3A_28 : i32 to index
        %get3A_112 = arith.constant 96 : index
        %get3A_113 = tpu.vector_load %arg9[%get3A_111, %get3A_112] {strides = array<i32>} : memref<80x128xf32, #tpu.memory_space<vmem>>, vector<1x16xf32>,
        %get3A_114 = vector.shape_cast %get3A_113 : vector<1x16xf32> to vector<16xf32>
        %get3A_115 = arith.index_cast %scan3A_28 : i32 to index
        %get3A_116 = arith.constant 96 : index
        %get3A_117 = tpu.vector_load %arg10[%get3A_115, %get3A_116] {strides = array<i32>} : memref<80x128xf32, #tpu.memory_space<vmem>>, vector<1x16xf32>,
        %get3A_118 = vector.shape_cast %get3A_117 : vector<1x16xf32> to vector<16xf32>
        %add3A_119 = arith.addf %get3A_114, %get3A_118 : vector<16xf32>
        %swap3A_120 = arith.index_cast %scan3A_28 : i32 to index
        %swap3A_121 = arith.constant 96 : index
        %swap3A_122 = tpu.vector_load %arg9[%swap3A_120, %swap3A_121] {strides = array<i32>} : memref<80x128xf32, #tpu.memory_space<vmem>>, vector<1x16xf32>,
        %swap3A_123 = vector.shape_cast %swap3A_122 : vector<1x16xf32> to vector<16xf32>
        %swap3A_124 = vector.shape_cast %add3A_119 : vector<16xf32> to vector<1x16xf32>
        tpu.vector_store %arg9[%swap3A_120, %swap3A_121], %swap3A_124 {strides = array<i32>} : memref<80x128xf32, #tpu.memory_space<vmem>>, vector<1x16xf32>,
        %get3A_125 = arith.index_cast %scan3A_28 : i32 to index
        %get3A_126 = arith.constant 112 : index
        %get3A_127 = tpu.vector_load %arg9[%get3A_125, %get3A_126] {strides = array<i32>} : memref<80x128xf32, #tpu.memory_space<vmem>>, vector<1x16xf32>,
        %get3A_128 = vector.shape_cast %get3A_127 : vector<1x16xf32> to vector<16xf32>
        %get3A_129 = arith.index_cast %scan3A_28 : i32 to index
        %get3A_130 = arith.constant 112 : index
        %get3A_131 = tpu.vector_load %arg10[%get3A_129, %get3A_130] {strides = array<i32>} : memref<80x128xf32, #tpu.memory_space<vmem>>, vector<1x16xf32>,
        %get3A_132 = vector.shape_cast %get3A_131 : vector<1x16xf32> to vector<16xf32>
        %add3A_133 = arith.addf %get3A_128, %get3A_132 : vector<16xf32>
        %swap3A_134 = arith.index_cast %scan3A_28 : i32 to index
        %swap3A_135 = arith.constant 112 : index
        %swap3A_136 = tpu.vector_load %arg9[%swap3A_134, %swap3A_135] {strides = array<i32>} : memref<80x128xf32, #tpu.memory_space<vmem>>, vector<1x16xf32>,
        %swap3A_137 = vector.shape_cast %swap3A_136 : vector<1x16xf32> to vector<16xf32>
        %swap3A_138 = vector.shape_cast %add3A_133 : vector<16xf32> to vector<1x16xf32>
        tpu.vector_store %arg9[%swap3A_134, %swap3A_135], %swap3A_138 {strides = array<i32>} : memref<80x128xf32, #tpu.memory_space<vmem>>, vector<1x16xf32>,
      }
      %scan3A_27 = arith.constant 80 : i32
      "tpu.region"() ({
        %run_scoped3A = tpu.sem_alloc : memref<!tpu.dma_semaphore, #tpu.memory_space<semaphore_mem>>
        %dma_start3A_28 = arith.constant 0 : i32
        %dma_start3A_29 = tpu.memref_slice %arg6[%add3A_11, %dma_start3A_28] : memref<320000x128xf32, #tpu.memory_space<hbm>> -> memref<80x128xf32, #tpu.memory_space<hbm>>
        %dma_start3A_30 = arith.constant 0 : i32
        %dma_start3A_31 = tpu.memref_slice %arg6[%add3A_11, %dma_start3A_30] : memref<320000x128xf32, #tpu.memory_space<hbm>> -> memref<80x128xf32, #tpu.memory_space<hbm>>
        tpu.enqueue_dma source(%arg9 : memref<80x128xf32, #tpu.memory_space<vmem>>) target(%dma_start3A_31 : memref<80x128xf32, #tpu.memory_space<hbm>>) target_semaphore(%run_scoped3A : memref<!tpu.dma_semaphore, #tpu.memory_space<semaphore_mem>>)
        %dma_wait3A_32 = arith.constant 0 : i32
        %dma_wait3A_33 = tpu.memref_slice %arg6[%add3A_11, %dma_wait3A_32] : memref<320000x128xf32, #tpu.memory_space<hbm>> -> memref<80x128xf32, #tpu.memory_space<hbm>>
        %dma_wait3A_34 = arith.constant 0 : i32
        %dma_wait3A_35 = tpu.memref_slice %arg6[%add3A_11, %dma_wait3A_34] : memref<320000x128xf32, #tpu.memory_space<hbm>> -> memref<80x128xf32, #tpu.memory_space<hbm>>
        tpu.wait_dma2 semaphore(%run_scoped3A : memref<!tpu.dma_semaphore, #tpu.memory_space<semaphore_mem>>) src(%arg9 : memref<80x128xf32, #tpu.memory_space<vmem>>) dst(%dma_wait3A_35 : memref<80x128xf32, #tpu.memory_space<hbm>>)
        tpu.yield
      }) : () -> ()
    }
    %scan3A_5 = arith.constant 125 : i32
    return
  }
}

module attributes {stable_mosaic.version = 14 : i64} {
  func.func @_edge_body(%arg0: i32, %arg1: memref<1280x128xf32, #tpu.memory_space<vmem>>, %arg2: memref<1280x16xf32, #tpu.memory_space<vmem>>, %arg3: memref<16x128xf32, #tpu.memory_space<vmem>>, %arg4: memref<128x16xf32, #tpu.memory_space<vmem>>, %arg5: memref<1x16xf32, #tpu.memory_space<vmem>>, %arg6: memref<16x128xf32, #tpu.memory_space<vmem>>, %arg7: memref<1280x16xf32, #tpu.memory_space<vmem>>, %arg8: memref<1280x128xf32, #tpu.memory_space<vmem>>) attributes {dimension_semantics = [#tpu.dimension_semantics<arbitrary>], iteration_bounds = array<i64: 250>, scalar_prefetch = 0 : i64, scratch_operands = 0 : i64, tpu.core_type = #tpu.core_type<tc>, window_params = [{transform_indices = @transform_0, window_bounds = array<i64: 1280, 128>}, {transform_indices = @transform_1, window_bounds = array<i64: 1280, 16>}, {pipeline_mode = #tpu.pipeline_mode<synchronous>, transform_indices = @transform_2, window_bounds = array<i64: 16, 128>}, {pipeline_mode = #tpu.pipeline_mode<synchronous>, transform_indices = @transform_3, window_bounds = array<i64: 128, 16>}, {pipeline_mode = #tpu.pipeline_mode<synchronous>, transform_indices = @transform_4, window_bounds = array<i64: 1, 16>}, {pipeline_mode = #tpu.pipeline_mode<synchronous>, transform_indices = @transform_5, window_bounds = array<i64: 16, 128>}, {transform_indices = @transform_6, window_bounds = array<i64: 1280, 16>}, {transform_indices = @transform_7, window_bounds = array<i64: 1280, 128>}]} {
    %get3A = arith.constant 0 : index
    %get3A_0 = arith.constant 0 : index
    %get3A_1 = vector.load %arg1[%get3A, %get3A_0] : memref<1280x128xf32, #tpu.memory_space<vmem>>, vector<1280x128xf32>
    %get3A_2 = arith.constant 0 : index
    %get3A_3 = arith.constant 0 : index
    %get3A_4 = vector.load %arg2[%get3A_2, %get3A_3] : memref<1280x16xf32, #tpu.memory_space<vmem>>, vector<1280x16xf32>
    %get3A_5 = arith.constant 0 : index
    %get3A_6 = arith.constant 0 : index
    %get3A_7 = vector.load %arg3[%get3A_5, %get3A_6] : memref<16x128xf32, #tpu.memory_space<vmem>>, vector<16x128xf32>
    %dot_general3A = arith.constant dense<0.000000e+00> : vector<1280x128xf32>
    %dot_general3A_8 = tpu.matmul %get3A_4, %get3A_7, %dot_general3A {dimension_numbers = #tpu.dot_dimension_numbers<[1], [0], [0], [1], [0, 0, 1, 1], [], []>, transpose_lhs_hint = false} : vector<1280x16xf32>, vector<16x128xf32>, vector<1280x128xf32> -> vector<1280x128xf32>
    %add3A = arith.addf %get3A_1, %dot_general3A_8 : vector<1280x128xf32>
    %max3A = arith.constant 0.000000e+00 : f32
    %max3A_9 = vector.broadcast %max3A : f32 to vector<1280x128xf32>
    %max3A_10 = arith.maximumf %add3A, %max3A_9 : vector<1280x128xf32>
    %get3A_11 = arith.constant 0 : index
    %get3A_12 = arith.constant 0 : index
    %get3A_13 = vector.load %arg4[%get3A_11, %get3A_12] : memref<128x16xf32, #tpu.memory_space<vmem>>, vector<128x16xf32>
    %dot_general3A_14 = arith.constant dense<0.000000e+00> : vector<1280x16xf32>
    %dot_general3A_15 = tpu.matmul %max3A_10, %get3A_13, %dot_general3A_14 {dimension_numbers = #tpu.dot_dimension_numbers<[1], [0], [0], [1], [0, 0, 1, 1], [], []>, transpose_lhs_hint = false} : vector<1280x128xf32>, vector<128x16xf32>, vector<1280x16xf32> -> vector<1280x16xf32>
    %get3A_16 = arith.constant 0 : index
    %get3A_17 = arith.constant 0 : index
    %get3A_18 = vector.load %arg5[%get3A_16, %get3A_17] : memref<1x16xf32, #tpu.memory_space<vmem>>, vector<1x16xf32>
    %add3A_19 = vector.broadcast %get3A_18 : vector<1x16xf32> to vector<1280x16xf32>
    %add3A_20 = arith.addf %dot_general3A_15, %add3A_19 : vector<1280x16xf32>
    %swap3A = arith.constant 0 : index
    %swap3A_21 = arith.constant 0 : index
    %swap3A_22 = vector.load %arg7[%swap3A, %swap3A_21] : memref<1280x16xf32, #tpu.memory_space<vmem>>, vector<1280x16xf32>
    tpu.vector_store %arg7[%swap3A, %swap3A_21], %add3A_20 {strides = array<i32>} : memref<1280x16xf32, #tpu.memory_space<vmem>>, vector<1280x16xf32>,
    %get3A_23 = arith.constant 0 : index
    %get3A_24 = arith.constant 0 : index
    %get3A_25 = vector.load %arg6[%get3A_23, %get3A_24] : memref<16x128xf32, #tpu.memory_space<vmem>>, vector<16x128xf32>
    %dot_general3A_26 = arith.constant dense<0.000000e+00> : vector<1280x128xf32>
    %dot_general3A_27 = tpu.matmul %add3A_20, %get3A_25, %dot_general3A_26 {dimension_numbers = #tpu.dot_dimension_numbers<[1], [0], [0], [1], [0, 0, 1, 1], [], []>, transpose_lhs_hint = false} : vector<1280x16xf32>, vector<16x128xf32>, vector<1280x128xf32> -> vector<1280x128xf32>
    %swap3A_28 = arith.constant 0 : index
    %swap3A_29 = arith.constant 0 : index
    %swap3A_30 = vector.load %arg8[%swap3A_28, %swap3A_29] : memref<1280x128xf32, #tpu.memory_space<vmem>>, vector<1280x128xf32>
    tpu.vector_store %arg8[%swap3A_28, %swap3A_29], %dot_general3A_27 {strides = array<i32>} : memref<1280x128xf32, #tpu.memory_space<vmem>>, vector<1280x128xf32>,
    return
  }
  func.func @transform_0(%arg0: i32) -> (i32, i32) {
    %c0_i32 = arith.constant 0 : i32
    %c0_i32_0 = arith.constant 0 : i32
    return %arg0, %c0_i32 : i32, i32
  }
  func.func @transform_1(%arg0: i32) -> (i32, i32) {
    %c0_i32 = arith.constant 0 : i32
    %c0_i32_0 = arith.constant 0 : i32
    return %arg0, %c0_i32 : i32, i32
  }
  func.func @transform_2(%arg0: i32) -> (i32, i32) {
    %c0_i32 = arith.constant 0 : i32
    %c0_i32_0 = arith.constant 0 : i32
    %c0_i32_1 = arith.constant 0 : i32
    return %c0_i32, %c0_i32_0 : i32, i32
  }
  func.func @transform_3(%arg0: i32) -> (i32, i32) {
    %c0_i32 = arith.constant 0 : i32
    %c0_i32_0 = arith.constant 0 : i32
    %c0_i32_1 = arith.constant 0 : i32
    return %c0_i32, %c0_i32_0 : i32, i32
  }
  func.func @transform_4(%arg0: i32) -> (i32, i32) {
    %c0_i32 = arith.constant 0 : i32
    %c0_i32_0 = arith.constant 0 : i32
    %c0_i32_1 = arith.constant 0 : i32
    return %c0_i32, %c0_i32_0 : i32, i32
  }
  func.func @transform_5(%arg0: i32) -> (i32, i32) {
    %c0_i32 = arith.constant 0 : i32
    %c0_i32_0 = arith.constant 0 : i32
    %c0_i32_1 = arith.constant 0 : i32
    return %c0_i32, %c0_i32_0 : i32, i32
  }
  func.func @transform_6(%arg0: i32) -> (i32, i32) {
    %c0_i32 = arith.constant 0 : i32
    %c0_i32_0 = arith.constant 0 : i32
    return %arg0, %c0_i32 : i32, i32
  }
  func.func @transform_7(%arg0: i32) -> (i32, i32) {
    %c0_i32 = arith.constant 0 : i32
    %c0_i32_0 = arith.constant 0 : i32
    return %arg0, %c0_i32 : i32, i32
  }
}

module attributes {stable_mosaic.version = 14 : i64} {
  func.func @_prep_body(%arg0: i32, %arg1: memref<1000x128xf32, #tpu.memory_space<vmem>>, %arg2: memref<128x128xf32, #tpu.memory_space<vmem>>, %arg3: memref<128x128xf32, #tpu.memory_space<vmem>>, %arg4: memref<128x128xf32, #tpu.memory_space<vmem>>, %arg5: memref<1x32xf32, #tpu.memory_space<vmem>>, %arg6: memref<32x128xf32, #tpu.memory_space<vmem>>, %arg7: memref<1x128xf32, #tpu.memory_space<vmem>>, %arg8: memref<1x128xf32, #tpu.memory_space<vmem>>, %arg9: memref<1000x128xf32, #tpu.memory_space<vmem>>, %arg10: memref<1000x128xf32, #tpu.memory_space<vmem>>, %arg11: memref<1000x128xf32, #tpu.memory_space<vmem>>) attributes {dimension_semantics = [#tpu.dimension_semantics<arbitrary>], iteration_bounds = array<i64: 10>, scalar_prefetch = 0 : i64, scratch_operands = 0 : i64, tpu.core_type = #tpu.core_type<tc>, window_params = [{transform_indices = @transform_0, window_bounds = array<i64: 1000, 128>}, {pipeline_mode = #tpu.pipeline_mode<synchronous>, transform_indices = @transform_1, window_bounds = array<i64: 128, 128>}, {pipeline_mode = #tpu.pipeline_mode<synchronous>, transform_indices = @transform_2, window_bounds = array<i64: 128, 128>}, {pipeline_mode = #tpu.pipeline_mode<synchronous>, transform_indices = @transform_3, window_bounds = array<i64: 128, 128>}, {pipeline_mode = #tpu.pipeline_mode<synchronous>, transform_indices = @transform_4, window_bounds = array<i64: 1, 32>}, {pipeline_mode = #tpu.pipeline_mode<synchronous>, transform_indices = @transform_5, window_bounds = array<i64: 32, 128>}, {pipeline_mode = #tpu.pipeline_mode<synchronous>, transform_indices = @transform_6, window_bounds = array<i64: 1, 128>}, {pipeline_mode = #tpu.pipeline_mode<synchronous>, transform_indices = @transform_7, window_bounds = array<i64: 1, 128>}, {transform_indices = @transform_8, window_bounds = array<i64: 1000, 128>}, {transform_indices = @transform_9, window_bounds = array<i64: 1000, 128>}, {transform_indices = @transform_10, window_bounds = array<i64: 1000, 128>}]} {
    %get3A = arith.constant 0 : index
    %get3A_0 = arith.constant 0 : index
    %get3A_1 = vector.load %arg1[%get3A, %get3A_0] : memref<1000x128xf32, #tpu.memory_space<vmem>>, vector<1000x128xf32>
    %get3A_2 = arith.constant 0 : index
    %get3A_3 = arith.constant 0 : index
    %get3A_4 = vector.load %arg2[%get3A_2, %get3A_3] : memref<128x128xf32, #tpu.memory_space<vmem>>, vector<128x128xf32>
    %dot_general3A = arith.constant dense<0.000000e+00> : vector<1000x128xf32>
    %dot_general3A_5 = tpu.matmul %get3A_1, %get3A_4, %dot_general3A {dimension_numbers = #tpu.dot_dimension_numbers<[1], [0], [0], [1], [0, 0, 1, 1], [], []>, transpose_lhs_hint = false} : vector<1000x128xf32>, vector<128x128xf32>, vector<1000x128xf32> -> vector<1000x128xf32>
    %swap3A = arith.constant 0 : index
    %swap3A_6 = arith.constant 0 : index
    %swap3A_7 = vector.load %arg9[%swap3A, %swap3A_6] : memref<1000x128xf32, #tpu.memory_space<vmem>>, vector<1000x128xf32>
    tpu.vector_store %arg9[%swap3A, %swap3A_6], %dot_general3A_5 {strides = array<i32>} : memref<1000x128xf32, #tpu.memory_space<vmem>>, vector<1000x128xf32>,
    %get3A_8 = arith.constant 0 : index
    %get3A_9 = arith.constant 0 : index
    %get3A_10 = vector.load %arg5[%get3A_8, %get3A_9] : memref<1x32xf32, #tpu.memory_space<vmem>>, vector<1x32xf32>
    %get3A_11 = arith.constant 0 : index
    %get3A_12 = arith.constant 0 : index
    %get3A_13 = vector.load %arg6[%get3A_11, %get3A_12] : memref<32x128xf32, #tpu.memory_space<vmem>>, vector<32x128xf32>
    %dot_general3A_14 = arith.constant dense<0.000000e+00> : vector<1x128xf32>
    %dot_general3A_15 = tpu.matmul %get3A_10, %get3A_13, %dot_general3A_14 {dimension_numbers = #tpu.dot_dimension_numbers<[1], [0], [0], [1], [0, 0, 1, 1], [], []>, transpose_lhs_hint = false} : vector<1x32xf32>, vector<32x128xf32>, vector<1x128xf32> -> vector<1x128xf32>
    %get3A_16 = arith.constant 0 : index
    %get3A_17 = arith.constant 0 : index
    %get3A_18 = vector.load %arg3[%get3A_16, %get3A_17] : memref<128x128xf32, #tpu.memory_space<vmem>>, vector<128x128xf32>
    %dot_general3A_19 = arith.constant dense<0.000000e+00> : vector<1000x128xf32>
    %dot_general3A_20 = tpu.matmul %get3A_1, %get3A_18, %dot_general3A_19 {dimension_numbers = #tpu.dot_dimension_numbers<[1], [0], [0], [1], [0, 0, 1, 1], [], []>, transpose_lhs_hint = false} : vector<1000x128xf32>, vector<128x128xf32>, vector<1000x128xf32> -> vector<1000x128xf32>
    %get3A_21 = arith.constant 0 : index
    %get3A_22 = arith.constant 0 : index
    %get3A_23 = vector.load %arg7[%get3A_21, %get3A_22] : memref<1x128xf32, #tpu.memory_space<vmem>>, vector<1x128xf32>
    %add3A = vector.broadcast %get3A_23 : vector<1x128xf32> to vector<1000x128xf32>
    %add3A_24 = arith.addf %dot_general3A_20, %add3A : vector<1000x128xf32>
    %add3A_25 = vector.broadcast %dot_general3A_15 : vector<1x128xf32> to vector<1000x128xf32>
    %add3A_26 = arith.addf %add3A_24, %add3A_25 : vector<1000x128xf32>
    %swap3A_27 = arith.constant 0 : index
    %swap3A_28 = arith.constant 0 : index
    %swap3A_29 = vector.load %arg10[%swap3A_27, %swap3A_28] : memref<1000x128xf32, #tpu.memory_space<vmem>>, vector<1000x128xf32>
    tpu.vector_store %arg10[%swap3A_27, %swap3A_28], %add3A_26 {strides = array<i32>} : memref<1000x128xf32, #tpu.memory_space<vmem>>, vector<1000x128xf32>,
    %get3A_30 = arith.constant 0 : index
    %get3A_31 = arith.constant 0 : index
    %get3A_32 = vector.load %arg4[%get3A_30, %get3A_31] : memref<128x128xf32, #tpu.memory_space<vmem>>, vector<128x128xf32>
    %dot_general3A_33 = arith.constant dense<0.000000e+00> : vector<1000x128xf32>
    %dot_general3A_34 = tpu.matmul %get3A_1, %get3A_32, %dot_general3A_33 {dimension_numbers = #tpu.dot_dimension_numbers<[1], [0], [0], [1], [0, 0, 1, 1], [], []>, transpose_lhs_hint = false} : vector<1000x128xf32>, vector<128x128xf32>, vector<1000x128xf32> -> vector<1000x128xf32>
    %get3A_35 = arith.constant 0 : index
    %get3A_36 = arith.constant 0 : index
    %get3A_37 = vector.load %arg8[%get3A_35, %get3A_36] : memref<1x128xf32, #tpu.memory_space<vmem>>, vector<1x128xf32>
    %add3A_38 = vector.broadcast %get3A_37 : vector<1x128xf32> to vector<1000x128xf32>
    %add3A_39 = arith.addf %dot_general3A_34, %add3A_38 : vector<1000x128xf32>
    %swap3A_40 = arith.constant 0 : index
    %swap3A_41 = arith.constant 0 : index
    %swap3A_42 = vector.load %arg11[%swap3A_40, %swap3A_41] : memref<1000x128xf32, #tpu.memory_space<vmem>>, vector<1000x128xf32>
    tpu.vector_store %arg11[%swap3A_40, %swap3A_41], %add3A_39 {strides = array<i32>} : memref<1000x128xf32, #tpu.memory_space<vmem>>, vector<1000x128xf32>,
    return
  }
  func.func @transform_0(%arg0: i32) -> (i32, i32) {
    %c0_i32 = arith.constant 0 : i32
    %c0_i32_0 = arith.constant 0 : i32
    return %arg0, %c0_i32 : i32, i32
  }
  func.func @transform_1(%arg0: i32) -> (i32, i32) {
    %c0_i32 = arith.constant 0 : i32
    %c0_i32_0 = arith.constant 0 : i32
    %c0_i32_1 = arith.constant 0 : i32
    return %c0_i32, %c0_i32_0 : i32, i32
  }
  func.func @transform_2(%arg0: i32) -> (i32, i32) {
    %c0_i32 = arith.constant 0 : i32
    %c0_i32_0 = arith.constant 0 : i32
    %c0_i32_1 = arith.constant 0 : i32
    return %c0_i32, %c0_i32_0 : i32, i32
  }
  func.func @transform_3(%arg0: i32) -> (i32, i32) {
    %c0_i32 = arith.constant 0 : i32
    %c0_i32_0 = arith.constant 0 : i32
    %c0_i32_1 = arith.constant 0 : i32
    return %c0_i32, %c0_i32_0 : i32, i32
  }
  func.func @transform_4(%arg0: i32) -> (i32, i32) {
    %c0_i32 = arith.constant 0 : i32
    %c0_i32_0 = arith.constant 0 : i32
    %c0_i32_1 = arith.constant 0 : i32
    return %c0_i32, %c0_i32_0 : i32, i32
  }
  func.func @transform_5(%arg0: i32) -> (i32, i32) {
    %c0_i32 = arith.constant 0 : i32
    %c0_i32_0 = arith.constant 0 : i32
    %c0_i32_1 = arith.constant 0 : i32
    return %c0_i32, %c0_i32_0 : i32, i32
  }
  func.func @transform_6(%arg0: i32) -> (i32, i32) {
    %c0_i32 = arith.constant 0 : i32
    %c0_i32_0 = arith.constant 0 : i32
    %c0_i32_1 = arith.constant 0 : i32
    return %c0_i32, %c0_i32_0 : i32, i32
  }
  func.func @transform_7(%arg0: i32) -> (i32, i32) {
    %c0_i32 = arith.constant 0 : i32
    %c0_i32_0 = arith.constant 0 : i32
    %c0_i32_1 = arith.constant 0 : i32
    return %c0_i32, %c0_i32_0 : i32, i32
  }
  func.func @transform_8(%arg0: i32) -> (i32, i32) {
    %c0_i32 = arith.constant 0 : i32
    %c0_i32_0 = arith.constant 0 : i32
    return %arg0, %c0_i32 : i32, i32
  }
  func.func @transform_9(%arg0: i32) -> (i32, i32) {
    %c0_i32 = arith.constant 0 : i32
    %c0_i32_0 = arith.constant 0 : i32
    return %arg0, %c0_i32 : i32, i32
  }
  func.func @transform_10(%arg0: i32) -> (i32, i32) {
    %c0_i32 = arith.constant 0 : i32
    %c0_i32_0 = arith.constant 0 : i32
    return %arg0, %c0_i32 : i32, i32
  }
}

module attributes {stable_mosaic.version = 14 : i64} {
  func.func @_node_body(%arg0: i32, %arg1: memref<1000x128xf32, #tpu.memory_space<vmem>>, %arg2: memref<2x1000x128xf32, #tpu.memory_space<vmem>>, %arg3: memref<2x1000x1xf32, #tpu.memory_space<vmem>>, %arg4: memref<128x128xf32, #tpu.memory_space<vmem>>, %arg5: memref<1x128xf32, #tpu.memory_space<vmem>>, %arg6: memref<1x32xf32, #tpu.memory_space<vmem>>, %arg7: memref<128x128xf32, #tpu.memory_space<vmem>>, %arg8: memref<128x128xf32, #tpu.memory_space<vmem>>, %arg9: memref<32x128xf32, #tpu.memory_space<vmem>>, %arg10: memref<1x128xf32, #tpu.memory_space<vmem>>, %arg11: memref<128x128xf32, #tpu.memory_space<vmem>>, %arg12: memref<1x128xf32, #tpu.memory_space<vmem>>, %arg13: memref<1000x128xf32, #tpu.memory_space<vmem>>, %arg14: memref<1x128xf32, #tpu.memory_space<vmem>>) attributes {dimension_semantics = [#tpu.dimension_semantics<arbitrary>], iteration_bounds = array<i64: 10>, scalar_prefetch = 0 : i64, scratch_operands = 0 : i64, tpu.core_type = #tpu.core_type<tc>, window_params = [{transform_indices = @transform_0, window_bounds = array<i64: 1000, 128>}, {transform_indices = @transform_1, window_bounds = array<i64: 2, 1000, 128>}, {transform_indices = @transform_2, window_bounds = array<i64: 2, 1000, 1>}, {pipeline_mode = #tpu.pipeline_mode<synchronous>, transform_indices = @transform_3, window_bounds = array<i64: 128, 128>}, {pipeline_mode = #tpu.pipeline_mode<synchronous>, transform_indices = @transform_4, window_bounds = array<i64: 1, 128>}, {pipeline_mode = #tpu.pipeline_mode<synchronous>, transform_indices = @transform_5, window_bounds = array<i64: 1, 32>}, {pipeline_mode = #tpu.pipeline_mode<synchronous>, transform_indices = @transform_6, window_bounds = array<i64: 128, 128>}, {pipeline_mode = #tpu.pipeline_mode<synchronous>, transform_indices = @transform_7, window_bounds = array<i64: 128, 128>}, {pipeline_mode = #tpu.pipeline_mode<synchronous>, transform_indices = @transform_8, window_bounds = array<i64: 32, 128>}, {pipeline_mode = #tpu.pipeline_mode<synchronous>, transform_indices = @transform_9, window_bounds = array<i64: 1, 128>}, {pipeline_mode = #tpu.pipeline_mode<synchronous>, transform_indices = @transform_10, window_bounds = array<i64: 128, 128>}, {pipeline_mode = #tpu.pipeline_mode<synchronous>, transform_indices = @transform_11, window_bounds = array<i64: 1, 128>}, {transform_indices = @transform_12, window_bounds = array<i64: 1000, 128>}, {pipeline_mode = #tpu.pipeline_mode<synchronous>, transform_indices = @transform_13, window_bounds = array<i64: 1, 128>}]} {
    %get3A = arith.constant 0 : index
    %get3A_0 = arith.constant 0 : index
    %get3A_1 = arith.constant 0 : index
    %get3A_2 = vector.load %arg2[%get3A, %get3A_0, %get3A_1] : memref<2x1000x128xf32, #tpu.memory_space<vmem>>, vector<1x1000x128xf32>
    %get3A_3 = vector.shape_cast %get3A_2 : vector<1x1000x128xf32> to vector<1000x128xf32>
    %get3A_4 = arith.constant 1 : index
    %get3A_5 = arith.constant 0 : index
    %get3A_6 = arith.constant 0 : index
    %get3A_7 = vector.load %arg2[%get3A_4, %get3A_5, %get3A_6] : memref<2x1000x128xf32, #tpu.memory_space<vmem>>, vector<1x1000x128xf32>
    %get3A_8 = vector.shape_cast %get3A_7 : vector<1x1000x128xf32> to vector<1000x128xf32>
    %add3A = arith.addf %get3A_3, %get3A_8 : vector<1000x128xf32>
    %get3A_9 = arith.constant 0 : index
    %get3A_10 = arith.constant 0 : index
    %get3A_11 = arith.constant 0 : index
    %get3A_12 = vector.load %arg3[%get3A_9, %get3A_10, %get3A_11] : memref<2x1000x1xf32, #tpu.memory_space<vmem>>, vector<1x1000x1xf32>
    %get3A_13 = vector.shape_cast %get3A_12 : vector<1x1000x1xf32> to vector<1000x1xf32>
    %get3A_14 = arith.constant 1 : index
    %get3A_15 = arith.constant 0 : index
    %get3A_16 = arith.constant 0 : index
    %get3A_17 = vector.load %arg3[%get3A_14, %get3A_15, %get3A_16] : memref<2x1000x1xf32, #tpu.memory_space<vmem>>, vector<1x1000x1xf32>
    %get3A_18 = vector.shape_cast %get3A_17 : vector<1x1000x1xf32> to vector<1000x1xf32>
    %add3A_19 = arith.addf %get3A_13, %get3A_18 : vector<1000x1xf32>
    %max3A = arith.constant 1.000000e+00 : f32
    %max3A_20 = vector.broadcast %max3A : f32 to vector<1000x1xf32>
    %max3A_21 = arith.maximumf %add3A_19, %max3A_20 : vector<1000x1xf32>
    %gt3A = arith.constant 0.000000e+00 : f32
    %gt3A_22 = vector.broadcast %gt3A : f32 to vector<1000x1xf32>
    %gt3A_23 = arith.cmpf ogt, %add3A_19, %gt3A_22 : vector<1000x1xf32>
    %convert_element_type3A = arith.extui %gt3A_23 : vector<1000x1xi1> to vector<1000x1xi32>
    %convert_element_type3A_24 = arith.sitofp %convert_element_type3A : vector<1000x1xi32> to vector<1000x1xf32>
    %get3A_25 = arith.constant 0 : index
    %get3A_26 = arith.constant 0 : index
    %get3A_27 = vector.load %arg4[%get3A_25, %get3A_26] : memref<128x128xf32, #tpu.memory_space<vmem>>, vector<128x128xf32>
    %dot_general3A = arith.constant dense<0.000000e+00> : vector<1000x128xf32>
    %dot_general3A_28 = tpu.matmul %add3A, %get3A_27, %dot_general3A {dimension_numbers = #tpu.dot_dimension_numbers<[1], [0], [0], [1], [0, 0, 1, 1], [], []>, transpose_lhs_hint = false} : vector<1000x128xf32>, vector<128x128xf32>, vector<1000x128xf32> -> vector<1000x128xf32>
    %div3A = vector.broadcast %max3A_21 : vector<1000x1xf32> to vector<1000x128xf32>
    %div3A_29 = arith.divf %dot_general3A_28, %div3A : vector<1000x128xf32>
    %get3A_30 = arith.constant 0 : index
    %get3A_31 = arith.constant 0 : index
    %get3A_32 = vector.load %arg5[%get3A_30, %get3A_31] : memref<1x128xf32, #tpu.memory_space<vmem>>, vector<1x128xf32>
    %mul3A = vector.broadcast %convert_element_type3A_24 : vector<1000x1xf32> to vector<1000x128xf32>
    %mul3A_33 = vector.broadcast %get3A_32 : vector<1x128xf32> to vector<1000x128xf32>
    %mul3A_34 = arith.mulf %mul3A, %mul3A_33 : vector<1000x128xf32>
    %add3A_35 = arith.addf %div3A_29, %mul3A_34 : vector<1000x128xf32>
    %get3A_36 = arith.constant 0 : index
    %get3A_37 = arith.constant 0 : index
    %get3A_38 = vector.load %arg6[%get3A_36, %get3A_37] : memref<1x32xf32, #tpu.memory_space<vmem>>, vector<1x32xf32>
    %get3A_39 = arith.constant 0 : index
    %get3A_40 = arith.constant 0 : index
    %get3A_41 = vector.load %arg9[%get3A_39, %get3A_40] : memref<32x128xf32, #tpu.memory_space<vmem>>, vector<32x128xf32>
    %dot_general3A_42 = arith.constant dense<0.000000e+00> : vector<1x128xf32>
    %dot_general3A_43 = tpu.matmul %get3A_38, %get3A_41, %dot_general3A_42 {dimension_numbers = #tpu.dot_dimension_numbers<[1], [0], [0], [1], [0, 0, 1, 1], [], []>, transpose_lhs_hint = false} : vector<1x32xf32>, vector<32x128xf32>, vector<1x128xf32> -> vector<1x128xf32>
    %get3A_44 = arith.constant 0 : index
    %get3A_45 = arith.constant 0 : index
    %get3A_46 = vector.load %arg1[%get3A_44, %get3A_45] : memref<1000x128xf32, #tpu.memory_space<vmem>>, vector<1000x128xf32>
    %get3A_47 = arith.constant 0 : index
    %get3A_48 = arith.constant 0 : index
    %get3A_49 = vector.load %arg7[%get3A_47, %get3A_48] : memref<128x128xf32, #tpu.memory_space<vmem>>, vector<128x128xf32>
    %dot_general3A_50 = arith.constant dense<0.000000e+00> : vector<1000x128xf32>
    %dot_general3A_51 = tpu.matmul %get3A_46, %get3A_49, %dot_general3A_50 {dimension_numbers = #tpu.dot_dimension_numbers<[1], [0], [0], [1], [0, 0, 1, 1], [], []>, transpose_lhs_hint = false} : vector<1000x128xf32>, vector<128x128xf32>, vector<1000x128xf32> -> vector<1000x128xf32>
    %get3A_52 = arith.constant 0 : index
    %get3A_53 = arith.constant 0 : index
    %get3A_54 = vector.load %arg8[%get3A_52, %get3A_53] : memref<128x128xf32, #tpu.memory_space<vmem>>, vector<128x128xf32>
    %dot_general3A_55 = arith.constant dense<0.000000e+00> : vector<1000x128xf32>
    %dot_general3A_56 = tpu.matmul %add3A_35, %get3A_54, %dot_general3A_55 {dimension_numbers = #tpu.dot_dimension_numbers<[1], [0], [0], [1], [0, 0, 1, 1], [], []>, transpose_lhs_hint = false} : vector<1000x128xf32>, vector<128x128xf32>, vector<1000x128xf32> -> vector<1000x128xf32>
    %add3A_57 = arith.addf %dot_general3A_51, %dot_general3A_56 : vector<1000x128xf32>
    %add3A_58 = vector.broadcast %dot_general3A_43 : vector<1x128xf32> to vector<1000x128xf32>
    %add3A_59 = arith.addf %add3A_57, %add3A_58 : vector<1000x128xf32>
    %get3A_60 = arith.constant 0 : index
    %get3A_61 = arith.constant 0 : index
    %get3A_62 = vector.load %arg10[%get3A_60, %get3A_61] : memref<1x128xf32, #tpu.memory_space<vmem>>, vector<1x128xf32>
    %add3A_63 = vector.broadcast %get3A_62 : vector<1x128xf32> to vector<1000x128xf32>
    %add3A_64 = arith.addf %add3A_59, %add3A_63 : vector<1000x128xf32>
    %max3A_65 = arith.constant 0.000000e+00 : f32
    %max3A_66 = vector.broadcast %max3A_65 : f32 to vector<1000x128xf32>
    %max3A_67 = arith.maximumf %add3A_64, %max3A_66 : vector<1000x128xf32>
    %get3A_68 = arith.constant 0 : index
    %get3A_69 = arith.constant 0 : index
    %get3A_70 = vector.load %arg11[%get3A_68, %get3A_69] : memref<128x128xf32, #tpu.memory_space<vmem>>, vector<128x128xf32>
    %dot_general3A_71 = arith.constant dense<0.000000e+00> : vector<1000x128xf32>
    %dot_general3A_72 = tpu.matmul %max3A_67, %get3A_70, %dot_general3A_71 {dimension_numbers = #tpu.dot_dimension_numbers<[1], [0], [0], [1], [0, 0, 1, 1], [], []>, transpose_lhs_hint = false} : vector<1000x128xf32>, vector<128x128xf32>, vector<1000x128xf32> -> vector<1000x128xf32>
    %get3A_73 = arith.constant 0 : index
    %get3A_74 = arith.constant 0 : index
    %get3A_75 = vector.load %arg12[%get3A_73, %get3A_74] : memref<1x128xf32, #tpu.memory_space<vmem>>, vector<1x128xf32>
    %add3A_76 = vector.broadcast %get3A_75 : vector<1x128xf32> to vector<1000x128xf32>
    %add3A_77 = arith.addf %dot_general3A_72, %add3A_76 : vector<1000x128xf32>
    %swap3A = arith.constant 0 : index
    %swap3A_78 = arith.constant 0 : index
    %swap3A_79 = vector.load %arg13[%swap3A, %swap3A_78] : memref<1000x128xf32, #tpu.memory_space<vmem>>, vector<1000x128xf32>
    tpu.vector_store %arg13[%swap3A, %swap3A_78], %add3A_77 {strides = array<i32>} : memref<1000x128xf32, #tpu.memory_space<vmem>>, vector<1000x128xf32>,
    %eq3A = arith.constant 0 : i32
    %eq3A_80 = arith.cmpi eq, %arg0, %eq3A : i32
    %convert_element_type3A_81 = arith.extui %eq3A_80 : i1 to i32
    %cond3A = arith.constant 0 : i32
    %cond3A_82 = arith.cmpi ne, %convert_element_type3A_81, %cond3A : i32
    scf.if %cond3A_82 {
      %broadcast_in_dim3A_91 = arith.constant 0.000000e+00 : f32
      %broadcast_in_dim3A_92 = vector.broadcast %broadcast_in_dim3A_91 : f32 to vector<1x128xf32>
      %swap3A_93 = arith.constant 0 : index
      %swap3A_94 = arith.constant 0 : index
      %swap3A_95 = vector.load %arg14[%swap3A_93, %swap3A_94] : memref<1x128xf32, #tpu.memory_space<vmem>>, vector<1x128xf32>
      tpu.vector_store %arg14[%swap3A_93, %swap3A_94], %broadcast_in_dim3A_92 {strides = array<i32>} : memref<1x128xf32, #tpu.memory_space<vmem>>, vector<1x128xf32>,
    } else {
    }
    %get3A_83 = arith.constant 0 : index
    %get3A_84 = arith.constant 0 : index
    %get3A_85 = vector.load %arg14[%get3A_83, %get3A_84] : memref<1x128xf32, #tpu.memory_space<vmem>>, vector<1x128xf32>
    %reduce_sum3A = arith.constant dense<0.000000e+00> : vector<128xf32>
    %reduce_sum3A_86 = vector.multi_reduction <add>, %add3A_77, %reduce_sum3A [0] : vector<1000x128xf32> to vector<128xf32>
    %broadcast_in_dim3A = vector.shape_cast %reduce_sum3A_86 : vector<128xf32> to vector<1x128xf32>
    %add3A_87 = arith.addf %get3A_85, %broadcast_in_dim3A : vector<1x128xf32>
    %swap3A_88 = arith.constant 0 : index
    %swap3A_89 = arith.constant 0 : index
    %swap3A_90 = vector.load %arg14[%swap3A_88, %swap3A_89] : memref<1x128xf32, #tpu.memory_space<vmem>>, vector<1x128xf32>
    tpu.vector_store %arg14[%swap3A_88, %swap3A_89], %add3A_87 {strides = array<i32>} : memref<1x128xf32, #tpu.memory_space<vmem>>, vector<1x128xf32>,
    return
  }
  func.func @transform_0(%arg0: i32) -> (i32, i32) {
    %c0_i32 = arith.constant 0 : i32
    %c0_i32_0 = arith.constant 0 : i32
    return %arg0, %c0_i32 : i32, i32
  }
  func.func @transform_1(%arg0: i32) -> (i32, i32, i32) {
    %c0_i32 = arith.constant 0 : i32
    %c0_i32_0 = arith.constant 0 : i32
    %c0_i32_1 = arith.constant 0 : i32
    return %c0_i32, %arg0, %c0_i32_0 : i32, i32, i32
  }
  func.func @transform_2(%arg0: i32) -> (i32, i32, i32) {
    %c0_i32 = arith.constant 0 : i32
    %c0_i32_0 = arith.constant 0 : i32
    %c0_i32_1 = arith.constant 0 : i32
    return %c0_i32, %arg0, %c0_i32_0 : i32, i32, i32
  }
  func.func @transform_3(%arg0: i32) -> (i32, i32) {
    %c0_i32 = arith.constant 0 : i32
    %c0_i32_0 = arith.constant 0 : i32
    %c0_i32_1 = arith.constant 0 : i32
    return %c0_i32, %c0_i32_0 : i32, i32
  }
  func.func @transform_4(%arg0: i32) -> (i32, i32) {
    %c0_i32 = arith.constant 0 : i32
    %c0_i32_0 = arith.constant 0 : i32
    %c0_i32_1 = arith.constant 0 : i32
    return %c0_i32, %c0_i32_0 : i32, i32
  }
  func.func @transform_5(%arg0: i32) -> (i32, i32) {
    %c0_i32 = arith.constant 0 : i32
    %c0_i32_0 = arith.constant 0 : i32
    %c0_i32_1 = arith.constant 0 : i32
    return %c0_i32, %c0_i32_0 : i32, i32
  }
  func.func @transform_6(%arg0: i32) -> (i32, i32) {
    %c0_i32 = arith.constant 0 : i32
    %c0_i32_0 = arith.constant 0 : i32
    %c0_i32_1 = arith.constant 0 : i32
    return %c0_i32, %c0_i32_0 : i32, i32
  }
  func.func @transform_7(%arg0: i32) -> (i32, i32) {
    %c0_i32 = arith.constant 0 : i32
    %c0_i32_0 = arith.constant 0 : i32
    %c0_i32_1 = arith.constant 0 : i32
    return %c0_i32, %c0_i32_0 : i32, i32
  }
  func.func @transform_8(%arg0: i32) -> (i32, i32) {
    %c0_i32 = arith.constant 0 : i32
    %c0_i32_0 = arith.constant 0 : i32
    %c0_i32_1 = arith.constant 0 : i32
    return %c0_i32, %c0_i32_0 : i32, i32
  }
  func.func @transform_9(%arg0: i32) -> (i32, i32) {
    %c0_i32 = arith.constant 0 : i32
    %c0_i32_0 = arith.constant 0 : i32
    %c0_i32_1 = arith.constant 0 : i32
    return %c0_i32, %c0_i32_0 : i32, i32
  }
  func.func @transform_10(%arg0: i32) -> (i32, i32) {
    %c0_i32 = arith.constant 0 : i32
    %c0_i32_0 = arith.constant 0 : i32
    %c0_i32_1 = arith.constant 0 : i32
    return %c0_i32, %c0_i32_0 : i32, i32
  }
  func.func @transform_11(%arg0: i32) -> (i32, i32) {
    %c0_i32 = arith.constant 0 : i32
    %c0_i32_0 = arith.constant 0 : i32
    %c0_i32_1 = arith.constant 0 : i32
    return %c0_i32, %c0_i32_0 : i32, i32
  }
  func.func @transform_12(%arg0: i32) -> (i32, i32) {
    %c0_i32 = arith.constant 0 : i32
    %c0_i32_0 = arith.constant 0 : i32
    return %arg0, %c0_i32 : i32, i32
  }
  func.func @transform_13(%arg0: i32) -> (i32, i32) {
    %c0_i32 = arith.constant 0 : i32
    %c0_i32_0 = arith.constant 0 : i32
    %c0_i32_1 = arith.constant 0 : i32
    return %c0_i32, %c0_i32_0 : i32, i32
  }
}

module attributes {stable_mosaic.version = 14 : i64} {
  func.func @_global_body(%arg0: i32, %arg1: memref<1x32xf32, #tpu.memory_space<vmem>>, %arg2: memref<1x128xf32, #tpu.memory_space<vmem>>, %arg3: memref<32x32xf32, #tpu.memory_space<vmem>>, %arg4: memref<128x32xf32, #tpu.memory_space<vmem>>, %arg5: memref<1x32xf32, #tpu.memory_space<vmem>>, %arg6: memref<32x32xf32, #tpu.memory_space<vmem>>, %arg7: memref<1x32xf32, #tpu.memory_space<vmem>>, %arg8: memref<1x32xf32, #tpu.memory_space<vmem>>) attributes {dimension_semantics = [#tpu.dimension_semantics<arbitrary>], iteration_bounds = array<i64: 1>, scalar_prefetch = 0 : i64, scratch_operands = 0 : i64, tpu.core_type = #tpu.core_type<tc>, window_params = [{pipeline_mode = #tpu.pipeline_mode<synchronous>, transform_indices = @transform_0, window_bounds = array<i64: 1, 32>}, {pipeline_mode = #tpu.pipeline_mode<synchronous>, transform_indices = @transform_1, window_bounds = array<i64: 1, 128>}, {pipeline_mode = #tpu.pipeline_mode<synchronous>, transform_indices = @transform_2, window_bounds = array<i64: 32, 32>}, {pipeline_mode = #tpu.pipeline_mode<synchronous>, transform_indices = @transform_3, window_bounds = array<i64: 128, 32>}, {pipeline_mode = #tpu.pipeline_mode<synchronous>, transform_indices = @transform_4, window_bounds = array<i64: 1, 32>}, {pipeline_mode = #tpu.pipeline_mode<synchronous>, transform_indices = @transform_5, window_bounds = array<i64: 32, 32>}, {pipeline_mode = #tpu.pipeline_mode<synchronous>, transform_indices = @transform_6, window_bounds = array<i64: 1, 32>}, {pipeline_mode = #tpu.pipeline_mode<synchronous>, transform_indices = @transform_7, window_bounds = array<i64: 1, 32>}]} {
    %get3A = arith.constant 0 : index
    %get3A_0 = arith.constant 0 : index
    %get3A_1 = vector.load %arg2[%get3A, %get3A_0] : memref<1x128xf32, #tpu.memory_space<vmem>>, vector<1x128xf32>
    %mul3A = arith.constant 9.99999974E-5 : f32
    %mul3A_2 = vector.broadcast %mul3A : f32 to vector<1x128xf32>
    %mul3A_3 = arith.mulf %get3A_1, %mul3A_2 : vector<1x128xf32>
    %get3A_4 = arith.constant 0 : index
    %get3A_5 = arith.constant 0 : index
    %get3A_6 = vector.load %arg1[%get3A_4, %get3A_5] : memref<1x32xf32, #tpu.memory_space<vmem>>, vector<1x32xf32>
    %get3A_7 = arith.constant 0 : index
    %get3A_8 = arith.constant 0 : index
    %get3A_9 = vector.load %arg3[%get3A_7, %get3A_8] : memref<32x32xf32, #tpu.memory_space<vmem>>, vector<32x32xf32>
    %dot_general3A = arith.constant dense<0.000000e+00> : vector<1x32xf32>
    %dot_general3A_10 = tpu.matmul %get3A_6, %get3A_9, %dot_general3A {dimension_numbers = #tpu.dot_dimension_numbers<[1], [0], [0], [1], [0, 0, 1, 1], [], []>, transpose_lhs_hint = false} : vector<1x32xf32>, vector<32x32xf32>, vector<1x32xf32> -> vector<1x32xf32>
    %get3A_11 = arith.constant 0 : index
    %get3A_12 = arith.constant 0 : index
    %get3A_13 = vector.load %arg4[%get3A_11, %get3A_12] : memref<128x32xf32, #tpu.memory_space<vmem>>, vector<128x32xf32>
    %dot_general3A_14 = arith.constant dense<0.000000e+00> : vector<1x32xf32>
    %dot_general3A_15 = tpu.matmul %mul3A_3, %get3A_13, %dot_general3A_14 {dimension_numbers = #tpu.dot_dimension_numbers<[1], [0], [0], [1], [0, 0, 1, 1], [], []>, transpose_lhs_hint = false} : vector<1x128xf32>, vector<128x32xf32>, vector<1x32xf32> -> vector<1x32xf32>
    %add3A = arith.addf %dot_general3A_10, %dot_general3A_15 : vector<1x32xf32>
    %get3A_16 = arith.constant 0 : index
    %get3A_17 = arith.constant 0 : index
    %get3A_18 = vector.load %arg5[%get3A_16, %get3A_17] : memref<1x32xf32, #tpu.memory_space<vmem>>, vector<1x32xf32>
    %add3A_19 = arith.addf %add3A, %get3A_18 : vector<1x32xf32>
    %max3A = arith.constant 0.000000e+00 : f32
    %max3A_20 = vector.broadcast %max3A : f32 to vector<1x32xf32>
    %max3A_21 = arith.maximumf %add3A_19, %max3A_20 : vector<1x32xf32>
    %get3A_22 = arith.constant 0 : index
    %get3A_23 = arith.constant 0 : index
    %get3A_24 = vector.load %arg6[%get3A_22, %get3A_23] : memref<32x32xf32, #tpu.memory_space<vmem>>, vector<32x32xf32>
    %dot_general3A_25 = arith.constant dense<0.000000e+00> : vector<1x32xf32>
    %dot_general3A_26 = tpu.matmul %max3A_21, %get3A_24, %dot_general3A_25 {dimension_numbers = #tpu.dot_dimension_numbers<[1], [0], [0], [1], [0, 0, 1, 1], [], []>, transpose_lhs_hint = false} : vector<1x32xf32>, vector<32x32xf32>, vector<1x32xf32> -> vector<1x32xf32>
    %get3A_27 = arith.constant 0 : index
    %get3A_28 = arith.constant 0 : index
    %get3A_29 = vector.load %arg7[%get3A_27, %get3A_28] : memref<1x32xf32, #tpu.memory_space<vmem>>, vector<1x32xf32>
    %add3A_30 = arith.addf %dot_general3A_26, %get3A_29 : vector<1x32xf32>
    %swap3A = arith.constant 0 : index
    %swap3A_31 = arith.constant 0 : index
    %swap3A_32 = vector.load %arg8[%swap3A, %swap3A_31] : memref<1x32xf32, #tpu.memory_space<vmem>>, vector<1x32xf32>
    tpu.vector_store %arg8[%swap3A, %swap3A_31], %add3A_30 {strides = array<i32>} : memref<1x32xf32, #tpu.memory_space<vmem>>, vector<1x32xf32>,
    return
  }
  func.func @transform_0(%arg0: i32) -> (i32, i32) {
    %c0_i32 = arith.constant 0 : i32
    %c0_i32_0 = arith.constant 0 : i32
    %c0_i32_1 = arith.constant 0 : i32
    return %c0_i32, %c0_i32_0 : i32, i32
  }
  func.func @transform_1(%arg0: i32) -> (i32, i32) {
    %c0_i32 = arith.constant 0 : i32
    %c0_i32_0 = arith.constant 0 : i32
    %c0_i32_1 = arith.constant 0 : i32
    return %c0_i32, %c0_i32_0 : i32, i32
  }
  func.func @transform_2(%arg0: i32) -> (i32, i32) {
    %c0_i32 = arith.constant 0 : i32
    %c0_i32_0 = arith.constant 0 : i32
    %c0_i32_1 = arith.constant 0 : i32
    return %c0_i32, %c0_i32_0 : i32, i32
  }
  func.func @transform_3(%arg0: i32) -> (i32, i32) {
    %c0_i32 = arith.constant 0 : i32
    %c0_i32_0 = arith.constant 0 : i32
    %c0_i32_1 = arith.constant 0 : i32
    return %c0_i32, %c0_i32_0 : i32, i32
  }
  func.func @transform_4(%arg0: i32) -> (i32, i32) {
    %c0_i32 = arith.constant 0 : i32
    %c0_i32_0 = arith.constant 0 : i32
    %c0_i32_1 = arith.constant 0 : i32
    return %c0_i32, %c0_i32_0 : i32, i32
  }
  func.func @transform_5(%arg0: i32) -> (i32, i32) {
    %c0_i32 = arith.constant 0 : i32
    %c0_i32_0 = arith.constant 0 : i32
    %c0_i32_1 = arith.constant 0 : i32
    return %c0_i32, %c0_i32_0 : i32, i32
  }
  func.func @transform_6(%arg0: i32) -> (i32, i32) {
    %c0_i32 = arith.constant 0 : i32
    %c0_i32_0 = arith.constant 0 : i32
    %c0_i32_1 = arith.constant 0 : i32
    return %c0_i32, %c0_i32_0 : i32, i32
  }
  func.func @transform_7(%arg0: i32) -> (i32, i32) {
    %c0_i32 = arith.constant 0 : i32
    %c0_i32_0 = arith.constant 0 : i32
    %c0_i32_1 = arith.constant 0 : i32
    return %c0_i32, %c0_i32_0 : i32, i32
  }
}

</mosaic_0001>

<sc_bundles>
// kernel: kernel.11.cloned.1.call-start
scs
__scs_entry_jumppad:
0x0: {  	(pc) =	sbr.rel $0x88, $3  }
0x1: {  	(tag) =	ssettag $0x0;
	lr =	simm.s32 $0x1  }
0x2: {  	[smem:$0x3F8D] =	sst lr;
	_ =	strace $0xD0000000  }
0x3: {  	_ = 	snop  }
0x4: {  	_ = 	snop  }
0x5: {  	_ = 	snop  }
0x6: {  	_ = 	snop  }
0x7: {  	_ = 	snop  }
__scs_overlays_trampoline_lowered:
0x8: {  	[smem:$0x3F9C] =	sst s0  }
0x9: {  	[smem:$0x3F9D] =	sst s1  }
0xa: {  	[smem:$0x3F9E] =	sst s2  }
0xb: {  	[smem:$0x3F9F] =	sst s3  }
0xc: {  	[smem:$0x3FA0] =	sst s4  }
0xd: {  	[smem:$0x3FA1] =	sst s5  }
0xe: {  	[smem:$0x3FA2] =	sst s6  }
0xf: {  	[smem:$0x3FA3] =	sst s7  }
0x10: {  	[smem:$0x3FA4] =	sst s8  }
0x11: {  	[smem:$0x3FA5] =	sst s9;
	s0 =	simm.s32 @!p0 $0x0  }
0x12: {  	s1 =	sld [smem:$0x3F8B];
	s0 =	simm.s32 @p0 $0x1  }
0x13: {  	[smem:$0x3FA6] =	sst s0;
	s0 =	simm.s32 @!p1 $0x0  }
0x14: {  	s2 =	sld [smem:$0x3F8A];
	s0 =	simm.s32 @p1 $0x1  }
0x15: {  	[smem:$0x3FA7] =	sst s0;
	s0 =	simm.s32 @!p2 $0x0  }
0x16: {  	s3 =	sld [smem:$0x3FDB];
	s0 =	simm.s32 @p2 $0x1  }
0x17: {  	s4 =	simm.s32 $0x1BF5;
	[smem:$0x3FA9] =	sst s0  }
0x18: {  	s0 =	sld [smem:$0x3F8C];
	_ =	swait.ge [sflag:s4], $0x0  }
0x19: {  	s7 =	sld [smem:$0x3F8D]  }
0x1a: {  	s8 =	sadd.s32 $0xFFFFE003, lr  }
0x1b: {  	s9 =	sadd.s32 $0xFFFFFEF7, lr;
	s5 =	simm.s32 $0xFFFFFFFF;
	p2 =	slt.u32 s8, $0xFFFFF086  }
0x1c: {  	p1 =	slt.u32 s9, $0xF7A;
	s5 =	simm.s32 @!p2 $0x0  }
0x1d: {  	s5 =	simm.s32 @p1 $0x1;
	p0 =	seq.s32 s7, s2  }
0x1e: {  	s7 =	smul.u32 @!p0 $0xF7A, s2;
	p2 =	seq.s32 @!p0 s5, $0x0  }
0x1f: {  	s9 =	smul.u32 $0xF7A, s1;
	s8 =	simm.s32 @!p0 $0x1BF5;
	p2 =	por !p2, p0  }
0x20: {  	[sflag:s8] =	ssyncset.s32 @!p0 $0xFFFFF086;
	s6 =	sadd.s32 @!p0 s3, s7;
	s7 =	simm.s32 @!p0 $0x108  }
0x21: {  	s3 =	sadd.s32 s3, s9;
	s6 =	sadd.s32 @!p0 $0x88, s6;
	s7 =	simm.s32 @p2 $0x1082  }
0x22: {  	[simem:s7], [sflag:s8] =	dma.local @!p0 [hbm:s6], $0xF7A  }
0x23: {  	s9 =	sor.u32 $0xD0000000, s2;
	s6 =	simm.s32 $0x108;
	_ =	swait.ge @!p0 [sflag:s8], $0x0  }
0x24: {  	s3 =	sadd.s32 $0x88, s3;
	s6 =	simm.s32 @!p1 $0x1082;
	[sflag:s4] =	ssyncset.s32 $0xFFFFF086  }
0x25: {  	[simem:s6], [sflag:s4] =	dma.local [hbm:s3], $0xF7A  }
0x26: {  	[smem:$0x3F8D] =	sst s1;
	(tag) =	ssettag s2;
	_ =	strace s9  }
0x27: {  	s1 =	sld [smem:$0x3F9D]  }
0x28: {  	s2 =	sld [smem:$0x3F9E]  }
0x29: {  	s4 =	sld [smem:$0x3FA0]  }
0x2a: {  	p0 =	seq.s32 s5, $0x0;
	s5 =	sld [smem:$0x3FA1]  }
0x2b: {  	s6 =	sld [smem:$0x3FA2]  }
0x2c: {  	s7 =	sld [smem:$0x3FA3]  }
0x2d: {  	s3 =	simm.s32 $0x108;
	s8 =	sld [smem:$0x3FA4]  }
0x2e: {  	s3 =	simm.s32 @!p0 $0x1082;
	s9 =	sld [smem:$0x3FA5]  }
0x2f: {  	lr =	sadd.s32 s0, s3;
	s0 =	sld [smem:$0x3F9C]  }
0x30: {  	s3 =	sld [smem:$0x3F9F]  }
0x31: {  	[smem:$0x3FA8] =	sst s10  }
0x32: {  	s10 =	sld [smem:$0x3FA6];
	_ =	sdelay $0x3  }
0x33: {  	p0 =	seq.s32 s10, $0x1;
	s10 =	sld [smem:$0x3FA8];
	_ =	sdelay $0x3  }
0x34: {  	[smem:$0x3FA8] =	sst s10  }
0x35: {  	s10 =	sld [smem:$0x3FA7];
	_ =	sdelay $0x3  }
0x36: {  	p1 =	seq.s32 s10, $0x1;
	s10 =	sld [smem:$0x3FA8];
	_ =	sdelay $0x3  }
0x37: {  	[smem:$0x3FA8] =	sst s10  }
0x38: {  	s10 =	sld [smem:$0x3FA9]  }
0x39: {  	_ = 	snop;
	(pc) =	sbr.ind lr, $3  }
0x3a: {  	_ = 	snop  }
0x3b: {  	_ = 	snop  }
0x3c: {  	p2 =	seq.s32 s10, $0x1;
	s10 =	sld [smem:$0x3FA8]  }
0x3d: {  	_ =	shalt  }
0x3e: {  	_ =	shalt  }
0x3f: {  	_ =	shalt  }
0x40: {  	_ =	shalt  }
0x41: {  	_ =	shalt  }
0x42: {  	_ =	shalt  }
0x43: {  	_ =	shalt  }
0x44: {  	_ =	shalt  }
0x45: {  	_ =	shalt  }
0x46: {  	_ =	shalt  }
0x47: {  	_ =	shalt  }
0x48: {  	_ =	shalt  }
0x49: {  	_ =	shalt  }
0x4a: {  	_ =	shalt  }
0x4b: {  	_ =	shalt  }
0x4c: {  	_ =	shalt  }
0x4d: {  	_ =	shalt  }
0x4e: {  	_ =	shalt  }
0x4f: {  	_ =	shalt  }
0x50: {  	_ =	shalt  }
0x51: {  	_ =	shalt  }
0x52: {  	_ =	shalt  }
0x53: {  	_ =	shalt  }
0x54: {  	_ =	shalt  }
0x55: {  	_ =	shalt  }
0x56: {  	_ =	shalt  }
0x57: {  	_ =	shalt  }
0x58: {  	_ =	shalt  }
0x59: {  	_ =	shalt  }
0x5a: {  	_ =	shalt  }
0x5b: {  	_ =	shalt  }
0x5c: {  	_ =	shalt  }
0x5d: {  	_ =	shalt  }
0x5e: {  	_ =	shalt  }
0x5f: {  	_ =	shalt  }
0x60: {  	_ =	shalt  }
0x61: {  	_ =	shalt  }
0x62: {  	_ =	shalt  }
0x63: {  	_ =	shalt  }
0x64: {  	_ =	shalt  }
0x65: {  	_ =	shalt  }
0x66: {  	_ =	shalt  }
0x67: {  	_ =	shalt  }
0x68: {  	_ =	shalt  }
0x69: {  	_ =	shalt  }
0x6a: {  	_ =	shalt  }
0x6b: {  	_ =	shalt  }
0x6c: {  	_ =	shalt  }
0x6d: {  	_ =	shalt  }
0x6e: {  	_ =	shalt  }
0x6f: {  	_ =	shalt  }
0x70: {  	_ =	shalt  }
0x71: {  	_ =	shalt  }
0x72: {  	_ =	shalt  }
0x73: {  	_ =	shalt  }
0x74: {  	_ =	shalt  }
0x75: {  	_ =	shalt  }
0x76: {  	_ =	shalt  }
0x77: {  	_ =	shalt  }
0x78: {  	_ =	shalt  }
0x79: {  	_ =	shalt  }
0x7a: {  	_ =	shalt  }
0x7b: {  	_ =	shalt  }
0x7c: {  	_ =	shalt  }
0x7d: {  	_ =	shalt  }
0x7e: {  	_ =	shalt  }
0x7f: {  	_ =	shalt  }
0x80: {  	_ =	shalt  }
0x81: {  	_ =	shalt  }
0x82: {  	_ =	shalt  }
0x83: {  	_ =	shalt  }
0x84: {  	_ =	shalt  }
0x85: {  	_ =	shalt  }
0x86: {  	_ =	shalt  }
0x87: {  	_ =	shalt  }
.Lfunc_end0:
.L_simem_size_0:
called_computation.1_lowered:
.L_overlay_start_0:
0x88: {  	s2 =	sld [smem:$0x3FD9]  }
0x89: {  	s3 =	sld [smem:$0x3FFE];
	_ =	sdelay $0x1  }
0x8a: {  	s1 =	srdreg.scid  }
0x8b: {  	s0 =	sand.u32 $0x1, s1  }
0x8c: {  	s14 =	sshll.u32 s0, $0xA;
	s2 =	sadd.s32 s3, s2  }
0x8d: {  	s2 =	sadd.s32 s2, s14  }
0x8e: {  	[smem:$0x3FB4] =	sst s2  }
0x8f: {  	_ = 	snop  }
0x90: {  	s2 =	sld [smem:$0x3FD0];
	_ =	sdelay $0x2  }
0x91: {  	s15 =	simm.s32 $0xA;
	s4 =	simm.s32 $0x10  }
0x92: {  	[smem:s4], [sflag:s15] =	dma.local [hbm:s2], $0x1  }
0x93: {  	_ =	swait.eq [sflag:s15], $0x1  }
0x94: {  	[sflag:s15] =	ssyncset.done $0x0  }
0x95: {  	[sflag:s15] =	ssyncadd.s32 $0xFFFFFFFF  }
0x96: {  	s16 =	sld [smem:$0x10];
	(tm) =	ssettm $0x1  }
0x97: {  	s17 =	sld [smem:$0x3FFB];
	_ =	sdelay $0x3  }
0x98: {  	_ =	strace s17  }
0x99: {  	s3 =	sld [smem:$0x3FFC];
	_ =	sdelay $0x3  }
0x9a: {  	_ =	strace s3  }
0x9b: {  	s3 =	sld [smem:$0x3FFD];
	_ =	sdelay $0x3  }
0x9c: {  	_ =	strace s3  }
0x9d: {  	_ =	strace $0x8FFFFFFF  }
0x9e: {  	s18 =	sld [smem:$0x3FDB];
	_ =	sdelay $0x1  }
0x9f: {  	s19 =	simm.s32 $_scs_section_size  }
0xa0: {  	s5 =	simm.s32 $_size__tile_overlayer_lowered;
	s6 =	simm.s32 $_tile_overlayer_lowered  }
0xa1: {  	s22 =	simm.s32 $0x1BFF;
	s21 =	sshll.u32 s6, $0x1;
	s3 =	sadd.s32 s19, s18  }
0xa2: {  	s7 =	simm.s32 $0x0;
	s20 =	sshll.u32 s5, $0x1;
	s5 =	sadd.s32 s21, s3  }
0xa3: {  	[timem:s7], [sflag:s22] =	dma.local [hbm:s5], s20  }
0xa4: {  	_ =	swait.ge [sflag:s22], s20  }
0xa5: {  	s4 =	ssub.s32 $0x0, s20;
	[sflag:s22] =	ssyncset.done $0x0  }
0xa6: {  	[sflag:s22] =	ssyncadd.s32 s4;
	_ =	sdelay $0x1  }
0xa7: {  	s23 =	simm.s32 $0x1B8B  }
0xa8: {  	_ =	swait.ge [sflag:s23], $0x1  }
0xa9: {  	[sflag:s23] =	ssyncset.done $0x0  }
0xaa: {  	s25 =	simm.s32 $0x1B8E;
	s24 =	sld [smem:$0x3FFE];
	[sflag:s23] =	ssyncadd.s32 $0xFFFFFFFF  }
0xab: {  	s26 =	simm.s32 $execute0_lowered;
	[smem:$0x3FD2] =	sst s25  }
0xac: {  	s5 =	sshll.u32 s26, $0x1;
	_ =	strace $0x80000049;
	[dreg:$0x1] =	wrdreg $0xFFFFFFFF  }
0xad: {  	s28 =	simm.s32 $_size_execute0_lowered;
	s3 =	sadd.s32 s3, s5;
	[dreg:$0x0] =	wrdreg $0x0  }
0xae: {  	s5 =	sshll.u32 s28, $0x1;
	[dreg:$0x2] =	wrdreg s3  }
0xaf: {  	[dreg:$0x3] =	wrdreg s5  }
0xb0: {  	[dreg:$0x4] =	wrdreg $0xC0  }
0xb1: {  	_ =	task [dreg:s7], $0x5FFFF  }
0xb2: {  	[dreg:$0x1] =	wrdreg $0xFFFFFFFF  }
0xb3: {  	[dreg:$0x0] =	wrdreg $0x60  }
0xb4: {  	[dreg:$0x2] =	wrdreg s16  }
0xb5: {  	[dreg:$0x3] =	wrdreg s24  }
0xb6: {  	[dreg:$0x4] =	wrdreg $0x51800  }
0xb7: {  	[dreg:$0x5] =	wrdreg $0x191800  }
0xb8: {  	[dreg:$0x6] =	wrdreg $0x9  }
0xb9: {  	_ =	task.clear_ibuf [dreg:s7], $0x7FFFF;
	_ =	strace $0x90000049  }
0xba: {  	s29 =	simm.s32 $0x9;
	_ =	strace $0x8000004B  }
0xbb: {  	_ =	swait.ge [sflag:s29], $0x1  }
0xbc: {  	[sflag:s29] =	ssyncadd.s32 $0xFFFFFFFF  }
0xbd: {  	_ =	strace $0x9000004B  }
0xbe: {  	_ =	sfence  }
0xbf: {  	s30 =	sld [smem:$0x0];
	_ =	sdelay $0x2  }
0xc0: {  	s31 =	sshll.u32 s1, $0xD;
	s1 =	sshrl.u32 s1, $0x2  }
0xc1: {  	s3 =	sand.u32 $0x4000, s31;
	s1 =	sadd.s32 s1, s30  }
0xc2: {  	s0 =	sor.u32 s3, s0;
	s1 =	sshll.u32 s1, $0x11  }
0xc3: {  	s0 =	sor.u32 s1, s0  }
0xc4: {  	s0 =	sadd.s32 $0x8F2B, s0  }
0xc5: {  	[sflag:s0] =	ssyncadd.remote.s32 $0x1  }
0xc6: {  	_ =	sfence.sel $0xFFFF  }
0xc7: {  	[dreg:$0x0] =	wrdreg $0xFFFFFFFF;
	(pc) =	sbr.abs _section_cstart, $3  }
0xc8: {  	[dreg:$0x1] =	wrdreg $0xFFFFFFFF  }
0xc9: {  	_ =	task.clear_ibuf [dreg:s7], $0x2FFFF;
	_ =	strace $0x9FFFFFFF  }
0xca: {  	(tm) =	ssettm $0x7FFFFFFF  }
0xcb: {  	_ =	shalt  }
tec
execute0_lowered:
.L_overlay_start_1:
0x0: {  	(tag) =	ssettag $0x1  }
0x1: {  	s1 =	rddreg [dreg:$0x0]  }
0x2: {  	s11 =	rddreg [dreg:$0x1]  }
0x3: {  	s2 =	rddreg [dreg:$0x2]  }
0x4: {  	s3 =	rddreg [dreg:$0x3];
	s4 =	simm.s32 $0x0  }
0x5: {  	s5 =	srdreg.scid;
	s19 =	simm.s32 $0x80;
	s20 =	simm.s32 $0x50  }
0x6: {  	s21 =	simm.s32 $0x100;
	s22 =	simm.s32 $0x2900;
	s23 =	simm.s32 $0x1  }
0x7: {  	s24 =	simm.s32 $0x5100;
	[smem:$0x7FF] =	sst s4;
	s12 =	sand.u32 $0x1, s5  }
0x8: {  	s25 =	simm.s32 $0x20;
	s5 =	stileid.u32;
	s13 =	smul.u32 $0x140000, s12  }
0x9: {  	s6 =	sadd.s32 $0xEE4A00, s11;
	s7 =	sadd.s32 $0xDA00, s11;
	s14 =	smul.u32 $0x14000, s5  }
0xa: {  	s8 =	sadd.s32 $0x3C00, s11;
	s9 =	sadd.s32 $0x17800, s11;
	s15 =	smul.u32 $0x500, s5  }
0xb: {  	s10 =	sadd.s32 $0x1A000, s11;
	_ =	strace $0x8000004A;
	s28 =	smul.u32 $0x50000, s5  }
0xc: {  	s26 =	sshll.u32 s12, $0x7;
	s16 =	ssub.s32 $0x2, s12;
	s18 =	smul.u32 $0xA00, s5  }
0xd: {  	s30 =	sshll.u32 s5, $0x6;
	s12 =	sshll.u32 s12, $0x4;
	s17 =	sshrl.u32 s16, $0x1  }
0xe: {  	s12 =	sor.u32 s5, s12;
	s13 =	sadd.s32 s14, s13;
	s14 =	sor.u32 s26, s15  }
0xf: {  	s15 =	sshrl.u32 s28, $0x2;
	s16 =	ssub.s32 s16, s17;
	s31 =	sshrl.u32 s18, $0x2  }
0x10: {  	s12 =	smul.u32 $0x2710, s12;
	s17 =	simm.s32 $0x2;
	s26 =	simm.s32 $0x10  }
0x11: {  	s13 =	sshrl.u32 s13, $0x3;
	s14 =	sshrl.u32 s14, $0x3;
	s29 =	sadd.s32 s15, s2  }
0x12: {  	s18 =	sadd.s32 s31, s3;
	s15 =	smax.u32 s16, $0x1;
	s13 =	sadd.s32 s13, s11  }
0x13: {  	s14 =	sadd.s32 s14, s11;
	s11 =	sor.u32 $0x1C02, s30;
	s16 =	sshrl.u32 s29, $0x3  }
0x14: {  	v0 =	vimm.f32 $1.000000000e+00;
	s18 =	sshrl.u32 s18, $0x3;
	s13 =	sadd.s32 $0x1AC00, s13;
	s14 =	sadd.s32 $0x1A200, s14  }
.LBB2_1:
0x15: {  	[spmem:s16], [sflag:s11] =	dma.local [hbm:s9], $0x2800  }
0x16: {  	_ =	swait.ge [sflag:s17], $0x2800  }
0x17: {  	[sflag:s17] =	ssyncset.done $0x0  }
0x18: {  	[sflag:s17] =	ssyncadd.s32 $0xFFFFD800  }
0x19: {  	[spmem:s18], [sflag:s11] =	dma.local [hbm:s10], $0x50  }
0x1a: {  	_ =	swait.ge [sflag:s17], $0x50  }
0x1b: {  	[sflag:s17] =	ssyncset.done $0x0  }
0x1c: {  	[sflag:s17] =	ssyncadd.s32 $0xFFFFFFB0  }
0x1d: {  	[tilespmem:$0x5100] =	vst v0  }
0x1e: {  	[tilespmem:$0x5110] =	vst v0  }
0x1f: {  	[tilespmem:$0x5120] =	vst v0  }
0x20: {  	[tilespmem:$0x5130] =	vst v0  }
0x21: {  	[tilespmem:$0x5140] =	vst v0  }
0x22: {  	s28 =	simm.s32 $0x0;
	[bflag:$0x0] =	sbarrier.arrive $0xFFFF  }
.LBB2_2:
0x23: {  	s29 =	smul.u32 $0x50, s28;
	_ =	sdelay $0x1  }
0x24: {  	s29 =	sadd.s32 s12, s29  }
0x25: {  	s30 =	sshrl.u32 s29, $0x3  }
0x26: {  	s0 =	simm.s32 $0x0;
	s31 =	sadd.s32 s7, s30  }
0x27: {  	[tilespmem:s0], [sflag:$0x2] =	stream.linear.gather [hbm4b:s31+s0], $0x50, $0x38;
	[tilespmem:$0x19400] =	vst v63  }
0x28: {  	_ =	swait.ge [sflag:s17], $0x50  }
0x29: {  	[sflag:s17] =	ssyncset.done $0x0  }
0x2a: {  	s30 =	sadd.s32 s8, s30;
	[sflag:s17] =	ssyncadd.s32 $0xFFFFFFB0  }
0x2b: {  	[tilespmem:s19], [sflag:$0x2] =	stream.linear.gather [hbm4b:s30+s0], $0x50, $0x38;
	[tilespmem:$0x19400] =	vst v63  }
0x2c: {  	_ =	swait.ge [sflag:s17], $0x50  }
0x2d: {  	[sflag:s17] =	ssyncset.done $0x0  }
0x2e: {  	s29 =	sshll.u32 s29, $0x4;
	[sflag:s17] =	ssyncadd.s32 $0xFFFFFFB0  }
0x2f: {  	[tilespmem:s21], [sflag:$0x1] =	stream.indirect.gather [hbm4b:s1+s20], $0x80, s0, s20, $0xb8;
	[tilespmem:$0x19400] =	vst v63  }
0x30: {  	s29 =	sadd.s32 s6, s29  }
0x31: {  	[tilespmem:s22], [sflag:$0x2] =	stream.linear.gather [hbm4b:s29+s0], $0x2800, $0x38;
	[tilespmem:$0x19400] =	vst v63  }
0x32: {  	_ =	swait.ge [sflag:s17], $0x2800  }
0x33: {  	[sflag:s17] =	ssyncset.done $0x0  }
0x34: {  	[sflag:s17] =	ssyncadd.s32 $0xFFFFD800  }
0x35: {  	_ =	swait.ge [sflag:s23], $0x2800  }
0x36: {  	[sflag:s23] =	ssyncset.done $0x0  }
0x37: {  	s29 =	simm.s32 $0x0;
	[sflag:s23] =	ssyncadd.s32 $0xFFFFD800  }
0x38: {  	v7 =	vld [tilespmem:s29+$0x2900]  }
0x39: {  	v12 =	vld [tilespmem:s29+$0x2910]  }
0x3a: {  	v6 =	vld [tilespmem:s29+$0x2920]  }
0x3b: {  	v5 =	vld [tilespmem:s29+$0x2930]  }
0x3c: {  	v4 =	vld [tilespmem:s29+$0x2940]  }
0x3d: {  	v3 =	vld [tilespmem:s29+$0x2950]  }
0x3e: {  	v2 =	vld [tilespmem:s29+$0x2960]  }
0x3f: {  	v1 =	vld [tilespmem:s29+$0x2970]  }
0x40: {  	v13 =	vld [tilespmem:s29+$0x100]  }
0x41: {  	v14 =	vld [tilespmem:s29+$0x110]  }
0x42: {  	v11 =	vld [tilespmem:s29+$0x120]  }
0x43: {  	v10 =	vld [tilespmem:s29+$0x130]  }
0x44: {  	v9 =	vld [tilespmem:s29+$0x140]  }
0x45: {  	v8 =	vld [tilespmem:s29+$0x150];
	v13 =	vadd.f32 v7, v13  }
0x46: {  	s30 =	simm.s32 $0x200;
	v12 =	vadd.f32 v12, v14;
	v7 =	vld [tilespmem:s29+$0x160]  }
.LBB2_3:
0x47: {  	s0 =	sshra.s32 s30, $0x2;
	p0 =	sne.s32 s30, $0x9E00;
	v13 =	vmax.f32 v13, $0.0e+00;
	v6 =	vadd.f32 v6, v11;
	v11 =	vld [tilespmem:s29+$0x170]  }
0x48: {  	v14 =	vld [tilespmem:s0+$0x2900];
	[tilespmem:s29+$0x100] =	vst v13;
	v12 =	vmax.f32 v12, $0.0e+00;
	v5 =	vadd.f32 v5, v10  }
0x49: {  	v15 =	vld [tilespmem:s0+$0x2910];
	[tilespmem:s29+$0x110] =	vst v12;
	v10 =	vmax.f32 v6, $0.0e+00;
	v4 =	vadd.f32 v4, v9  }
0x4a: {  	v6 =	vld [tilespmem:s0+$0x2920];
	[tilespmem:s29+$0x120] =	vst v10;
	v9 =	vmax.f32 v5, $0.0e+00;
	v3 =	vadd.f32 v3, v8  }
0x4b: {  	v5 =	vld [tilespmem:s0+$0x2930];
	[tilespmem:s29+$0x130] =	vst v9;
	v8 =	vmax.f32 v4, $0.0e+00;
	v2 =	vadd.f32 v2, v7  }
0x4c: {  	v4 =	vld [tilespmem:s0+$0x2940];
	[tilespmem:s29+$0x140] =	vst v8;
	v7 =	vmax.f32 v3, $0.0e+00;
	v1 =	vadd.f32 v1, v11  }
0x4d: {  	v3 =	vld [tilespmem:s0+$0x2950];
	[tilespmem:s29+$0x150] =	vst v7;
	v7 =	vmax.f32 v2, $0.0e+00  }
0x4e: {  	v2 =	vld [tilespmem:s0+$0x2960];
	[tilespmem:s29+$0x160] =	vst v7;
	v7 =	vmax.f32 v1, $0.0e+00  }
0x4f: {  	v1 =	vld [tilespmem:s0+$0x2970];
	[tilespmem:s29+$0x170] =	vst v7;
	s29 =	smov.u32 s0  }
0x50: {  	v7 =	vld [tilespmem:s29+$0x100]  }
0x51: {  	v12 =	vld [tilespmem:s29+$0x110]  }
.Ltmp0:
0x52: {  	v11 =	vld [tilespmem:s29+$0x120];
	(pc) =	sbr.rel @p0 .LBB2_3-.Ltmp0, $4  }
0x53: {  	v10 =	vld [tilespmem:s29+$0x130]  }
0x54: {  	v9 =	vld [tilespmem:s29+$0x140]  }
0x55: {  	v13 =	vadd.f32 v14, v7;
	v8 =	vld [tilespmem:s29+$0x150]  }
0x56: {  	s30 =	sadd.s32 $0x200, s30;
	v12 =	vadd.f32 v15, v12;
	v7 =	vld [tilespmem:s29+$0x160]  }
0x57: {  	v13 =	vmax.f32 v13, $0.0e+00;
	v6 =	vadd.f32 v6, v11;
	v63 =	vld [tilespmem:s29+$0x170]  }
0x58: {  	[tilespmem:s29+$0x100] =	vst v13;
	v12 =	vmax.f32 v12, $0.0e+00;
	v5 =	vadd.f32 v5, v10  }
0x59: {  	[tilespmem:s29+$0x110] =	vst v12;
	v6 =	vmax.f32 v6, $0.0e+00;
	v4 =	vadd.f32 v4, v9  }
0x5a: {  	[tilespmem:s29+$0x120] =	vst v6;
	v5 =	vmax.f32 v5, $0.0e+00;
	v3 =	vadd.f32 v3, v8  }
0x5b: {  	[tilespmem:s29+$0x130] =	vst v5;
	v4 =	vmax.f32 v4, $0.0e+00;
	v2 =	vadd.f32 v2, v7  }
0x5c: {  	[tilespmem:s29+$0x140] =	vst v4;
	v3 =	vmax.f32 v3, $0.0e+00;
	v1 =	vadd.f32 v1, v63  }
0x5d: {  	[tilespmem:s29+$0x150] =	vst v3;
	v2 =	vmax.f32 v2, $0.0e+00  }
0x5e: {  	[tilespmem:s29+$0x160] =	vst v2;
	v1 =	vmax.f32 v1, $0.0e+00  }
0x5f: {  	[tilespmem:s29+$0x170] =	vst v1  }
0x60: {  	[spmem:s2] =	stream.indirect.scatter.add.f32 [tilespmem:s21], [sflag:$0x2], $0x80, s19, s20, $0xb8;
	[tilespmem:$0x19400] =	vst v63  }
0x61: {  	s28 =	sadd.s32 $0x1, s28;
	_ =	swait.ge [sflag:s17], $0x2800  }
0x62: {  	p0 =	sne.s32 s28, $0x7D;
	[sflag:s17] =	ssyncset.done $0x0  }
.Ltmp1:
0x63: {  	[sflag:s17] =	ssyncadd.s32 $0xFFFFD800;
	(pc) =	sbr.rel @p0 .LBB2_2-.Ltmp1, $4  }
0x64: {  	[spmem:s3] =	stream.indirect.scatter.add.f32 [tilespmem:s24], [sflag:$0x2], $0x1, s19, s20, $0xb8;
	[tilespmem:$0x19400] =	vst v63  }
0x65: {  	_ =	swait.ge [sflag:s17], $0x50  }
0x66: {  	[sflag:s17] =	ssyncset.done $0x0  }
0x67: {  	[sflag:s17] =	ssyncadd.s32 $0xFFFFFFB0  }
0x68: {  	[bflag:$0x0] =	sbarrier.arrive $0xFFFF  }
0x69: {  	[hbm:s13], [sflag:s11] =	dma.local [spmem:s16], $0x2800  }
0x6a: {  	s4 =	sadd.s32 $0x1, s4;
	_ =	swait.ge [sflag:s17], $0x2800  }
0x6b: {  	p0 =	sne.s32 s4, s15;
	[sflag:s17] =	ssyncset.done $0x0  }
.Ltmp2:
0x6c: {  	[sflag:s17] =	ssyncadd.s32 $0xFFFFD800;
	(pc) =	sbr.rel @p0 .LBB2_1-.Ltmp2, $4  }
0x6d: {  	[hbm:s14@s25], [sflag:s11] =	dma.strided [spmem:s18@s26], $0x50, s23, $0x10   }
0x6e: {  	_ =	swait.ge [sflag:s17], $0x50  }
0x6f: {  	[sflag:s17] =	ssyncset.done $0x0  }
0x70: {  	[sflag:s17] =	ssyncadd.s32 $0xFFFFFFB0  }
0x71: {  	_ =	sfence.sel $0x180000  }
0x72: {  	[bflag:$0x0] =	sbarrier.arrive $0xFFFF  }
0x73: {  	_ =	strace $0x9000004A  }
0x74: {  	[bflag:$0x2] =	sbarrier.arrive $0xFFFF  }
0x75: {  	p0 =	sne.s32 s5, $0x0;
	s0 =	rddreg [dreg:$0x4]  }
0x76: {  	s0 =	sadd.s32 @!p0 $0x100000, s0  }
0x77: {  	[sflag:s0] =	ssyncadd.tile.s32 @!p0 $0x1;
	_ =	shalt  }
.Lfunc_end2:
_tile_overlayer_lowered:
.L_overlay_start_2:
0x78: {  	(tag) =	ssettag $0x2  }
0x79: {  	s0 =	rddreg [dreg:$0x0];
	s2 =	stileid.u32  }
0x7a: {  	s1 =	rddreg [dreg:$0x1];
	p0 =	sne.s32 s2, $0x0  }
0x7b: {  	s3 =	rddreg [dreg:$0x2];
	[bflag:$0x3] =	sbarrier.arrive $0xFFFF;
	s2 =	simm.s32 @!p0 $0x1C02  }
0x7c: {  	[timem:s3], [sflag:s2] =	dma.local @!p0 [hbm:s0], s1  }
0x7d: {  	s0 =	simm.s32 @!p0 $0x2  }
0x7e: {  	_ =	swait.ge @!p0 [sflag:s0], s1  }
0x7f: {  	s1 =	ssub.s32 @!p0 $0x0, s1;
	[sflag:s0] =	ssyncset.done @!p0 $0x0  }
0x80: {  	[sflag:s0] =	ssyncadd.s32 @!p0 s1  }
0x81: {  	[bflag:$0x3] =	sbarrier.arrive $0xFFFF  }
0x82: {  	_ =	shalt  }

// kernel: kernel.8.cloned.1.call-start
scs
__scs_entry_jumppad:
0x0: {  	(pc) =	sbr.rel $0x88, $3  }
0x1: {  	(tag) =	ssettag $0x0;
	lr =	simm.s32 $0x1  }
0x2: {  	[smem:$0x3F8D] =	sst lr;
	_ =	strace $0xD0000000  }
0x3: {  	_ = 	snop  }
0x4: {  	_ = 	snop  }
0x5: {  	_ = 	snop  }
0x6: {  	_ = 	snop  }
0x7: {  	_ = 	snop  }
__scs_overlays_trampoline_lowered:
0x8: {  	[smem:$0x3F9C] =	sst s0  }
0x9: {  	[smem:$0x3F9D] =	sst s1  }
0xa: {  	[smem:$0x3F9E] =	sst s2  }
0xb: {  	[smem:$0x3F9F] =	sst s3  }
0xc: {  	[smem:$0x3FA0] =	sst s4  }
0xd: {  	[smem:$0x3FA1] =	sst s5  }
0xe: {  	[smem:$0x3FA2] =	sst s6  }
0xf: {  	[smem:$0x3FA3] =	sst s7  }
0x10: {  	[smem:$0x3FA4] =	sst s8  }
0x11: {  	[smem:$0x3FA5] =	sst s9;
	s0 =	simm.s32 @!p0 $0x0  }
0x12: {  	s1 =	sld [smem:$0x3F8B];
	s0 =	simm.s32 @p0 $0x1  }
0x13: {  	[smem:$0x3FA6] =	sst s0;
	s0 =	simm.s32 @!p1 $0x0  }
0x14: {  	s2 =	sld [smem:$0x3F8A];
	s0 =	simm.s32 @p1 $0x1  }
0x15: {  	[smem:$0x3FA7] =	sst s0;
	s0 =	simm.s32 @!p2 $0x0  }
0x16: {  	s3 =	sld [smem:$0x3FDB];
	s0 =	simm.s32 @p2 $0x1  }
0x17: {  	s4 =	simm.s32 $0x1BF5;
	[smem:$0x3FA9] =	sst s0  }
0x18: {  	s0 =	sld [smem:$0x3F8C];
	_ =	swait.ge [sflag:s4], $0x0  }
0x19: {  	s7 =	sld [smem:$0x3F8D]  }
0x1a: {  	s8 =	sadd.s32 $0xFFFFE003, lr  }
0x1b: {  	s9 =	sadd.s32 $0xFFFFFEF7, lr;
	s5 =	simm.s32 $0xFFFFFFFF;
	p2 =	slt.u32 s8, $0xFFFFF086  }
0x1c: {  	p1 =	slt.u32 s9, $0xF7A;
	s5 =	simm.s32 @!p2 $0x0  }
0x1d: {  	s5 =	simm.s32 @p1 $0x1;
	p0 =	seq.s32 s7, s2  }
0x1e: {  	s7 =	smul.u32 @!p0 $0xF7A, s2;
	p2 =	seq.s32 @!p0 s5, $0x0  }
0x1f: {  	s9 =	smul.u32 $0xF7A, s1;
	s8 =	simm.s32 @!p0 $0x1BF5;
	p2 =	por !p2, p0  }
0x20: {  	[sflag:s8] =	ssyncset.s32 @!p0 $0xFFFFF086;
	s6 =	sadd.s32 @!p0 s3, s7;
	s7 =	simm.s32 @!p0 $0x108  }
0x21: {  	s3 =	sadd.s32 s3, s9;
	s6 =	sadd.s32 @!p0 $0x88, s6;
	s7 =	simm.s32 @p2 $0x1082  }
0x22: {  	[simem:s7], [sflag:s8] =	dma.local @!p0 [hbm:s6], $0xF7A  }
0x23: {  	s9 =	sor.u32 $0xD0000000, s2;
	s6 =	simm.s32 $0x108;
	_ =	swait.ge @!p0 [sflag:s8], $0x0  }
0x24: {  	s3 =	sadd.s32 $0x88, s3;
	s6 =	simm.s32 @!p1 $0x1082;
	[sflag:s4] =	ssyncset.s32 $0xFFFFF086  }
0x25: {  	[simem:s6], [sflag:s4] =	dma.local [hbm:s3], $0xF7A  }
0x26: {  	[smem:$0x3F8D] =	sst s1;
	(tag) =	ssettag s2;
	_ =	strace s9  }
0x27: {  	s1 =	sld [smem:$0x3F9D]  }
0x28: {  	s2 =	sld [smem:$0x3F9E]  }
0x29: {  	s4 =	sld [smem:$0x3FA0]  }
0x2a: {  	p0 =	seq.s32 s5, $0x0;
	s5 =	sld [smem:$0x3FA1]  }
0x2b: {  	s6 =	sld [smem:$0x3FA2]  }
0x2c: {  	s7 =	sld [smem:$0x3FA3]  }
0x2d: {  	s3 =	simm.s32 $0x108;
	s8 =	sld [smem:$0x3FA4]  }
0x2e: {  	s3 =	simm.s32 @!p0 $0x1082;
	s9 =	sld [smem:$0x3FA5]  }
0x2f: {  	lr =	sadd.s32 s0, s3;
	s0 =	sld [smem:$0x3F9C]  }
0x30: {  	s3 =	sld [smem:$0x3F9F]  }
0x31: {  	[smem:$0x3FA8] =	sst s10  }
0x32: {  	s10 =	sld [smem:$0x3FA6];
	_ =	sdelay $0x3  }
0x33: {  	p0 =	seq.s32 s10, $0x1;
	s10 =	sld [smem:$0x3FA8];
	_ =	sdelay $0x3  }
0x34: {  	[smem:$0x3FA8] =	sst s10  }
0x35: {  	s10 =	sld [smem:$0x3FA7];
	_ =	sdelay $0x3  }
0x36: {  	p1 =	seq.s32 s10, $0x1;
	s10 =	sld [smem:$0x3FA8];
	_ =	sdelay $0x3  }
0x37: {  	[smem:$0x3FA8] =	sst s10  }
0x38: {  	s10 =	sld [smem:$0x3FA9]  }
0x39: {  	_ = 	snop;
	(pc) =	sbr.ind lr, $3  }
0x3a: {  	_ = 	snop  }
0x3b: {  	_ = 	snop  }
0x3c: {  	p2 =	seq.s32 s10, $0x1;
	s10 =	sld [smem:$0x3FA8]  }
0x3d: {  	_ =	shalt  }
0x3e: {  	_ =	shalt  }
0x3f: {  	_ =	shalt  }
0x40: {  	_ =	shalt  }
0x41: {  	_ =	shalt  }
0x42: {  	_ =	shalt  }
0x43: {  	_ =	shalt  }
0x44: {  	_ =	shalt  }
0x45: {  	_ =	shalt  }
0x46: {  	_ =	shalt  }
0x47: {  	_ =	shalt  }
0x48: {  	_ =	shalt  }
0x49: {  	_ =	shalt  }
0x4a: {  	_ =	shalt  }
0x4b: {  	_ =	shalt  }
0x4c: {  	_ =	shalt  }
0x4d: {  	_ =	shalt  }
0x4e: {  	_ =	shalt  }
0x4f: {  	_ =	shalt  }
0x50: {  	_ =	shalt  }
0x51: {  	_ =	shalt  }
0x52: {  	_ =	shalt  }
0x53: {  	_ =	shalt  }
0x54: {  	_ =	shalt  }
0x55: {  	_ =	shalt  }
0x56: {  	_ =	shalt  }
0x57: {  	_ =	shalt  }
0x58: {  	_ =	shalt  }
0x59: {  	_ =	shalt  }
0x5a: {  	_ =	shalt  }
0x5b: {  	_ =	shalt  }
0x5c: {  	_ =	shalt  }
0x5d: {  	_ =	shalt  }
0x5e: {  	_ =	shalt  }
0x5f: {  	_ =	shalt  }
0x60: {  	_ =	shalt  }
0x61: {  	_ =	shalt  }
0x62: {  	_ =	shalt  }
0x63: {  	_ =	shalt  }
0x64: {  	_ =	shalt  }
0x65: {  	_ =	shalt  }
0x66: {  	_ =	shalt  }
0x67: {  	_ =	shalt  }
0x68: {  	_ =	shalt  }
0x69: {  	_ =	shalt  }
0x6a: {  	_ =	shalt  }
0x6b: {  	_ =	shalt  }
0x6c: {  	_ =	shalt  }
0x6d: {  	_ =	shalt  }
0x6e: {  	_ =	shalt  }
0x6f: {  	_ =	shalt  }
0x70: {  	_ =	shalt  }
0x71: {  	_ =	shalt  }
0x72: {  	_ =	shalt  }
0x73: {  	_ =	shalt  }
0x74: {  	_ =	shalt  }
0x75: {  	_ =	shalt  }
0x76: {  	_ =	shalt  }
0x77: {  	_ =	shalt  }
0x78: {  	_ =	shalt  }
0x79: {  	_ =	shalt  }
0x7a: {  	_ =	shalt  }
0x7b: {  	_ =	shalt  }
0x7c: {  	_ =	shalt  }
0x7d: {  	_ =	shalt  }
0x7e: {  	_ =	shalt  }
0x7f: {  	_ =	shalt  }
0x80: {  	_ =	shalt  }
0x81: {  	_ =	shalt  }
0x82: {  	_ =	shalt  }
0x83: {  	_ =	shalt  }
0x84: {  	_ =	shalt  }
0x85: {  	_ =	shalt  }
0x86: {  	_ =	shalt  }
0x87: {  	_ =	shalt  }
.Lfunc_end0:
.L_simem_size_0:
called_computation_lowered:
.L_overlay_start_0:
0x88: {  	s2 =	sld [smem:$0x3FD9]  }
0x89: {  	s3 =	sld [smem:$0x3FFE];
	_ =	sdelay $0x1  }
0x8a: {  	s1 =	srdreg.scid  }
0x8b: {  	s0 =	sand.u32 $0x1, s1  }
0x8c: {  	s14 =	sshll.u32 s0, $0xA;
	s2 =	sadd.s32 s3, s2  }
0x8d: {  	s2 =	sadd.s32 s2, s14  }
0x8e: {  	[smem:$0x3FB4] =	sst s2  }
0x8f: {  	_ = 	snop  }
0x90: {  	s2 =	sld [smem:$0x3FD0];
	_ =	sdelay $0x2  }
0x91: {  	s15 =	simm.s32 $0xA;
	s4 =	simm.s32 $0x10  }
0x92: {  	[smem:s4], [sflag:s15] =	dma.local [hbm:s2], $0x1  }
0x93: {  	_ =	swait.eq [sflag:s15], $0x1  }
0x94: {  	[sflag:s15] =	ssyncset.done $0x0  }
0x95: {  	[sflag:s15] =	ssyncadd.s32 $0xFFFFFFFF  }
0x96: {  	s16 =	sld [smem:$0x11];
	(tm) =	ssettm $0x1  }
0x97: {  	s17 =	sld [smem:$0x3FFB];
	_ =	sdelay $0x3  }
0x98: {  	_ =	strace s17  }
0x99: {  	s3 =	sld [smem:$0x3FFC];
	_ =	sdelay $0x3  }
0x9a: {  	_ =	strace s3  }
0x9b: {  	s3 =	sld [smem:$0x3FFD];
	_ =	sdelay $0x3  }
0x9c: {  	_ =	strace s3  }
0x9d: {  	_ =	strace $0x8FFFFFFF  }
0x9e: {  	s18 =	sld [smem:$0x3FDB];
	_ =	sdelay $0x1  }
0x9f: {  	s19 =	simm.s32 $_scs_section_size  }
0xa0: {  	s5 =	simm.s32 $_size__tile_overlayer_lowered;
	s6 =	simm.s32 $_tile_overlayer_lowered  }
0xa1: {  	s22 =	simm.s32 $0x1BFF;
	s21 =	sshll.u32 s6, $0x1;
	s3 =	sadd.s32 s19, s18  }
0xa2: {  	s7 =	simm.s32 $0x0;
	s20 =	sshll.u32 s5, $0x1;
	s5 =	sadd.s32 s21, s3  }
0xa3: {  	[timem:s7], [sflag:s22] =	dma.local [hbm:s5], s20  }
0xa4: {  	_ =	swait.ge [sflag:s22], s20  }
0xa5: {  	s4 =	ssub.s32 $0x0, s20;
	[sflag:s22] =	ssyncset.done $0x0  }
0xa6: {  	[sflag:s22] =	ssyncadd.s32 s4;
	_ =	sdelay $0x1  }
0xa7: {  	s23 =	simm.s32 $0x1B8B  }
0xa8: {  	_ =	swait.ge [sflag:s23], $0x1  }
0xa9: {  	[sflag:s23] =	ssyncset.done $0x0  }
0xaa: {  	s25 =	simm.s32 $0x1B8E;
	s24 =	sld [smem:$0x3FFE];
	[sflag:s23] =	ssyncadd.s32 $0xFFFFFFFF  }
0xab: {  	s26 =	simm.s32 $execute0_lowered;
	[smem:$0x3FD2] =	sst s25  }
0xac: {  	s5 =	sshll.u32 s26, $0x1;
	_ =	strace $0x80000046;
	[dreg:$0x1] =	wrdreg $0xFFFFFFFF  }
0xad: {  	s28 =	simm.s32 $_size_execute0_lowered;
	s3 =	sadd.s32 s3, s5;
	[dreg:$0x0] =	wrdreg $0x0  }
0xae: {  	s5 =	sshll.u32 s28, $0x1;
	[dreg:$0x2] =	wrdreg s3  }
0xaf: {  	[dreg:$0x3] =	wrdreg s5  }
0xb0: {  	[dreg:$0x4] =	wrdreg $0xC0  }
0xb1: {  	_ =	task [dreg:s7], $0x5FFFF  }
0xb2: {  	[dreg:$0x1] =	wrdreg $0xFFFFFFFF  }
0xb3: {  	[dreg:$0x0] =	wrdreg $0x60  }
0xb4: {  	[dreg:$0x2] =	wrdreg s16  }
0xb5: {  	[dreg:$0x3] =	wrdreg s24  }
0xb6: {  	[dreg:$0x4] =	wrdreg $0x9  }
0xb7: {  	_ =	task.clear_ibuf [dreg:s7], $0x5FFFF;
	_ =	strace $0x90000046  }
0xb8: {  	s29 =	simm.s32 $0x9;
	_ =	strace $0x80000048  }
0xb9: {  	_ =	swait.ge [sflag:s29], $0x1  }
0xba: {  	[sflag:s29] =	ssyncadd.s32 $0xFFFFFFFF  }
0xbb: {  	_ =	strace $0x90000048  }
0xbc: {  	_ =	sfence  }
0xbd: {  	s30 =	sld [smem:$0x0];
	_ =	sdelay $0x2  }
0xbe: {  	s31 =	sshll.u32 s1, $0xD;
	s1 =	sshrl.u32 s1, $0x2  }
0xbf: {  	s3 =	sand.u32 $0x4000, s31;
	s1 =	sadd.s32 s1, s30  }
0xc0: {  	s0 =	sor.u32 s3, s0;
	s1 =	sshll.u32 s1, $0x11  }
0xc1: {  	s0 =	sor.u32 s1, s0  }
0xc2: {  	s0 =	sadd.s32 $0x8F2B, s0  }
0xc3: {  	[sflag:s0] =	ssyncadd.remote.s32 $0x1  }
0xc4: {  	_ =	sfence.sel $0xFFFF  }
0xc5: {  	[dreg:$0x0] =	wrdreg $0xFFFFFFFF;
	(pc) =	sbr.abs _section_cstart, $3  }
0xc6: {  	[dreg:$0x1] =	wrdreg $0xFFFFFFFF  }
0xc7: {  	_ =	task.clear_ibuf [dreg:s7], $0x2FFFF;
	_ =	strace $0x9FFFFFFF  }
0xc8: {  	(tm) =	ssettm $0x7FFFFFFF  }
0xc9: {  	_ =	shalt  }
tec
execute0_lowered:
.L_overlay_start_1:
0x0: {  	(tag) =	ssettag $0x1  }
0x1: {  	s1 =	rddreg [dreg:$0x0]  }
0x2: {  	s7 =	rddreg [dreg:$0x1]  }
0x3: {  	s0 =	rddreg [dreg:$0x2]  }
0x4: {  	s2 =	simm.s32 $0x0;
	s4 =	srdreg.scid;
	s11 =	simm.s32 $0x80  }
0x5: {  	s12 =	simm.s32 $0x50;
	s13 =	simm.s32 $0x100;
	s14 =	simm.s32 $0x2900  }
0x6: {  	s15 =	simm.s32 $0x1;
	s16 =	simm.s32 $0x0;
	[smem:$0x7FF] =	sst s2  }
0x7: {  	s3 =	sadd.s32 $0x17800, s7;
	s8 =	sand.u32 $0x1, s4;
	s5 =	sadd.s32 $0xDA00, s7  }
0x8: {  	s6 =	sadd.s32 $0x3C00, s7;
	s4 =	stileid.u32;
	s9 =	ssub.s32 $0x2, s8  }
0x9: {  	s7 =	sadd.s32 $0x3EA00, s7;
	s8 =	sshll.u32 s8, $0x4;
	s10 =	sshrl.u32 s9, $0x1  }
0xa: {  	_ =	strace $0x80000047;
	s8 =	sor.u32 s4, s8;
	s9 =	ssub.s32 s9, s10  }
0xb: {  	s8 =	smul.u32 $0x2710, s8;
	s10 =	simm.s32 $0x2;
	s9 =	smax.u32 s9, $0x1  }
.LBB2_1:
0xc: {  	s17 =	simm.s32 $0x0  }
.LBB2_2:
0xd: {  	s18 =	smul.u32 $0x50, s17;
	_ =	sdelay $0x1  }
0xe: {  	s18 =	sadd.s32 s8, s18  }
0xf: {  	s19 =	sshrl.u32 s18, $0x3  }
0x10: {  	s21 =	simm.s32 $0x0;
	s20 =	sadd.s32 s5, s19  }
0x11: {  	[tilespmem:s21], [sflag:$0x2] =	stream.linear.gather [hbm4b:s20+s21], $0x50, $0x38;
	[tilespmem:$0x5100] =	vst v63  }
0x12: {  	_ =	swait.ge [sflag:s10], $0x50  }
0x13: {  	[sflag:s10] =	ssyncset.done $0x0  }
0x14: {  	s19 =	sadd.s32 s6, s19;
	[sflag:s10] =	ssyncadd.s32 $0xFFFFFFB0  }
0x15: {  	[tilespmem:s11], [sflag:$0x2] =	stream.linear.gather [hbm4b:s19+s21], $0x50, $0x38;
	[tilespmem:$0x5100] =	vst v63  }
0x16: {  	_ =	swait.ge [sflag:s10], $0x50  }
0x17: {  	[sflag:s10] =	ssyncset.done $0x0  }
0x18: {  	[sflag:s10] =	ssyncadd.s32 $0xFFFFFFB0  }
0x19: {  	[tilespmem:s13], [sflag:$0x1] =	stream.indirect.gather [hbm4b:s1+s12], $0x80, s21, s12, $0xb8;
	[tilespmem:$0x5100] =	vst v63  }
0x1a: {  	_ = 	snop  }
0x1b: {  	[tilespmem:s14], [sflag:$0x1] =	stream.indirect.gather [hbm4b:s3+s12], $0x80, s11, s12, $0xb8;
	[tilespmem:$0x5100] =	vst v63  }
0x1c: {  	_ =	swait.ge [sflag:s15], $0x2800  }
0x1d: {  	[sflag:s15] =	ssyncset.done $0x0  }
0x1e: {  	[sflag:s15] =	ssyncadd.s32 $0xFFFFD800  }
0x1f: {  	_ =	swait.ge [sflag:s15], $0x2800  }
0x20: {  	[sflag:s15] =	ssyncset.done $0x0  }
0x21: {  	s19 =	simm.s32 $0x0;
	[sflag:s15] =	ssyncadd.s32 $0xFFFFD800  }
0x22: {  	v7 =	vld [tilespmem:s19+$0x2900]  }
0x23: {  	v11 =	vld [tilespmem:s19+$0x2910]  }
0x24: {  	v5 =	vld [tilespmem:s19+$0x2920]  }
0x25: {  	v4 =	vld [tilespmem:s19+$0x2930]  }
0x26: {  	v3 =	vld [tilespmem:s19+$0x2940]  }
0x27: {  	v2 =	vld [tilespmem:s19+$0x2950]  }
0x28: {  	v1 =	vld [tilespmem:s19+$0x2960]  }
0x29: {  	v0 =	vld [tilespmem:s19+$0x2970]  }
0x2a: {  	v12 =	vld [tilespmem:s19+$0x100]  }
0x2b: {  	v13 =	vld [tilespmem:s19+$0x110]  }
0x2c: {  	v10 =	vld [tilespmem:s19+$0x120]  }
0x2d: {  	v9 =	vld [tilespmem:s19+$0x130]  }
0x2e: {  	v8 =	vld [tilespmem:s19+$0x140]  }
0x2f: {  	v6 =	vld [tilespmem:s19+$0x150];
	v12 =	vadd.f32 v7, v12  }
0x30: {  	s20 =	simm.s32 $0x200;
	v11 =	vadd.f32 v11, v13;
	v7 =	vld [tilespmem:s19+$0x160]  }
.LBB2_3:
0x31: {  	s21 =	sshra.s32 s20, $0x2;
	p0 =	sne.s32 s20, $0x9E00;
	[tilespmem:s19+$0x100] =	vst v12;
	v5 =	vadd.f32 v5, v10;
	v10 =	vld [tilespmem:s19+$0x170]  }
0x32: {  	v12 =	vld [tilespmem:s21+$0x2900];
	[tilespmem:s19+$0x110] =	vst v11;
	v4 =	vadd.f32 v4, v9  }
0x33: {  	v11 =	vld [tilespmem:s21+$0x2910];
	[tilespmem:s19+$0x120] =	vst v5;
	v3 =	vadd.f32 v3, v8  }
0x34: {  	v5 =	vld [tilespmem:s21+$0x2920];
	[tilespmem:s19+$0x130] =	vst v4;
	v2 =	vadd.f32 v2, v6  }
0x35: {  	v4 =	vld [tilespmem:s21+$0x2930];
	[tilespmem:s19+$0x140] =	vst v3;
	v1 =	vadd.f32 v1, v7  }
0x36: {  	v3 =	vld [tilespmem:s21+$0x2940];
	[tilespmem:s19+$0x150] =	vst v2;
	v0 =	vadd.f32 v0, v10  }
0x37: {  	v2 =	vld [tilespmem:s21+$0x2950];
	[tilespmem:s19+$0x160] =	vst v1  }
0x38: {  	v1 =	vld [tilespmem:s21+$0x2960];
	[tilespmem:s19+$0x170] =	vst v0;
	s19 =	smov.u32 s21  }
0x39: {  	v0 =	vld [tilespmem:s19+$0x2970]  }
0x3a: {  	v6 =	vld [tilespmem:s19+$0x100]  }
0x3b: {  	v7 =	vld [tilespmem:s19+$0x110]  }
.Ltmp0:
0x3c: {  	v10 =	vld [tilespmem:s19+$0x120];
	(pc) =	sbr.rel @p0 .LBB2_3-.Ltmp0, $4  }
0x3d: {  	v9 =	vld [tilespmem:s19+$0x130]  }
0x3e: {  	v8 =	vld [tilespmem:s19+$0x140]  }
0x3f: {  	v12 =	vadd.f32 v12, v6;
	v6 =	vld [tilespmem:s19+$0x150]  }
0x40: {  	s20 =	sadd.s32 $0x200, s20;
	v11 =	vadd.f32 v11, v7;
	v7 =	vld [tilespmem:s19+$0x160]  }
0x41: {  	[tilespmem:s19+$0x100] =	vst v12;
	v5 =	vadd.f32 v5, v10;
	v63 =	vld [tilespmem:s19+$0x170]  }
0x42: {  	[tilespmem:s19+$0x110] =	vst v11;
	v4 =	vadd.f32 v4, v9  }
0x43: {  	[tilespmem:s19+$0x120] =	vst v5;
	v3 =	vadd.f32 v3, v8  }
0x44: {  	[tilespmem:s19+$0x130] =	vst v4;
	v2 =	vadd.f32 v2, v6  }
0x45: {  	[tilespmem:s19+$0x140] =	vst v3;
	v1 =	vadd.f32 v1, v7  }
0x46: {  	s17 =	sadd.s32 $0x1, s17;
	[tilespmem:s19+$0x150] =	vst v2;
	v0 =	vadd.f32 v0, v63  }
0x47: {  	s18 =	sshll.u32 s18, $0x4;
	p0 =	sne.s32 s17, $0x7D;
	[tilespmem:s19+$0x160] =	vst v1  }
.Ltmp1:
0x48: {  	s18 =	sadd.s32 s7, s18;
	[tilespmem:s19+$0x170] =	vst v0;
	(pc) =	sbr.rel @p0 .LBB2_2-.Ltmp1, $4  }
0x49: {  	[hbm4b:s18+s2] =	stream.linear.scatter [tilespmem:s13], [sflag:$0x2], $0x2800, $0x38;
	[tilespmem:$0x5100] =	vst v63  }
0x4a: {  	_ =	swait.ge [sflag:s10], $0x2800  }
0x4b: {  	[sflag:s10] =	ssyncset.done $0x0  }
0x4c: {  	[sflag:s10] =	ssyncadd.s32 $0xFFFFD800  }
0x4d: {  	s16 =	sadd.s32 $0x1, s16  }
0x4e: {  	p0 =	sne.s32 s16, s9  }
.Ltmp2:
0x4f: {  	_ = 	snop;
	(pc) =	sbr.rel @p0 .LBB2_1-.Ltmp2, $1  }
0x50: {  	_ =	sdelay $0x3  }
0x51: {  	_ =	sfence.sel $0x180000  }
0x52: {  	[bflag:$0x0] =	sbarrier.arrive $0xFFFF  }
0x53: {  	p0 =	sne.s32 s4, $0x0;
	_ =	strace $0x90000047  }
0x54: {  	s0 =	sadd.s32 @!p0 $0x100000, s0;
	[bflag:$0x2] =	sbarrier.arrive $0xFFFF  }
0x55: {  	[sflag:s0] =	ssyncadd.tile.s32 @!p0 $0x1;
	_ =	shalt  }
.Lfunc_end2:
_tile_overlayer_lowered:
.L_overlay_start_2:
0x56: {  	(tag) =	ssettag $0x2  }
0x57: {  	s0 =	rddreg [dreg:$0x0];
	s2 =	stileid.u32  }
0x58: {  	s1 =	rddreg [dreg:$0x1];
	p0 =	sne.s32 s2, $0x0  }
0x59: {  	s3 =	rddreg [dreg:$0x2];
	[bflag:$0x3] =	sbarrier.arrive $0xFFFF;
	s2 =	simm.s32 @!p0 $0x1C02  }
0x5a: {  	[timem:s3], [sflag:s2] =	dma.local @!p0 [hbm:s0], s1  }
0x5b: {  	s0 =	simm.s32 @!p0 $0x2  }
0x5c: {  	_ =	swait.ge @!p0 [sflag:s0], s1  }
0x5d: {  	s1 =	ssub.s32 @!p0 $0x0, s1;
	[sflag:s0] =	ssyncset.done @!p0 $0x0  }
0x5e: {  	[sflag:s0] =	ssyncadd.s32 @!p0 s1  }
0x5f: {  	[bflag:$0x3] =	sbarrier.arrive $0xFFFF  }
0x60: {  	_ =	shalt  }

</sc_bundles>
